<compile_context>
chip_gen: v7x
topology: tpu7x:2x2x1
jax: 0.10.2.dev20260603
libtpu: 0.0.44.dev20260713+nightly
codegen_flags: <defaults>
</compile_context>

<pallas_src>
import jax
import jax.numpy as jnp
from jax import lax
from jax.experimental import pallas as pl
from jax.experimental.pallas import tpu as pltpu
from jax.experimental.pallas import tpu_sc as plsc

N = 10000
E = 320000
D = 128

NC = 2
NS = 16
NW = NC * NS

NP = 10240
RPT = NP // NS
CK = 128
NCHUNK = 80
HC = NCHUNK // 2
EPW = NCHUNK * CK
EP = NW * EPW

BR = 2048


def _mesh():
    return plsc.VectorSubcoreMesh(
        core_axis_name="c", subcore_axis_name="s", num_cores=NC, num_subcores=NS
    )


def _deg_body(dst_hbm, deg_out, dbuf, ones_v, zbuf, dsem, deg_sh):
    i16 = jnp.int32(16)
    cid = lax.axis_index("c").astype(jnp.int32)
    sid = lax.axis_index("s").astype(jnp.int32)
    wid = cid * jnp.int32(NS) + sid

    pltpu.async_copy(dst_hbm.at[wid], dbuf, dsem)

    def _z(i, c):
        zbuf[pl.ds(i * i16, 16)] = jnp.zeros((16,), jnp.float32)
        return c

    lax.fori_loop(jnp.int32(0), jnp.int32(RPT // 16), _z, jnp.int32(0))
    pltpu.sync_copy(zbuf, deg_sh.at[pl.ds(sid * jnp.int32(RPT), RPT)])

    def _o(i, c):
        ones_v[pl.ds(i * i16, 16)] = jnp.ones((16,), jnp.float32)
        return c

    lax.fori_loop(jnp.int32(0), jnp.int32(CK // 16), _o, jnp.int32(0))

    pltpu.make_async_copy(dst_hbm.at[wid], dbuf, dsem).wait()
    plsc.subcore_barrier()

    def _chunk(i, c):
        pltpu.async_copy(ones_v, deg_sh.at[dbuf.at[i]], dsem, add=True)
        return c

    lax.fori_loop(jnp.int32(0), jnp.int32(NCHUNK), _chunk, jnp.int32(0))

    def _drain(i, c):
        pltpu.make_async_copy(
            deg_out.at[cid, pl.ds(jnp.int32(0), CK)], ones_v, dsem
        ).wait()
        return c

    lax.fori_loop(jnp.int32(0), jnp.int32(NCHUNK), _drain, jnp.int32(0))
    plsc.subcore_barrier()

    pltpu.sync_copy(
        deg_sh.at[pl.ds(sid * jnp.int32(RPT), RPT)],
        deg_out.at[cid, pl.ds(sid * jnp.int32(RPT), RPT)],
    )


def _sc_degree(dst3):
    kfn = pl.kernel(
        _deg_body,
        out_type=jax.ShapeDtypeStruct((NC, NP), jnp.float32),
        mesh=_mesh(),
        scratch_types=[
            pltpu.VMEM((NCHUNK, CK), jnp.int32),
            pltpu.VMEM((CK,), jnp.float32),
            pltpu.VMEM((RPT,), jnp.float32),
            pltpu.SemaphoreType.DMA,
            pltpu.VMEM_SHARED((NP,), jnp.float32),
        ],
    )
    return kfn(dst3)


def _scatter_body(
    g_hbm, src_hbm, dst_hbm, p_out, sbuf, dbuf, rows0, rows1, sem0, sem1, acc
):
    i16 = jnp.int32(16)
    cid = lax.axis_index("c").astype(jnp.int32)
    sid = lax.axis_index("s").astype(jnp.int32)
    wid = cid * jnp.int32(NS) + sid
    base = sid * jnp.int32(RPT)

    pltpu.async_copy(src_hbm.at[wid, pl.ds(jnp.int32(0), HC)], sbuf, sem0)
    pltpu.async_copy(dst_hbm.at[wid, pl.ds(jnp.int32(0), HC)], dbuf, sem0)

    def _z(i, c):
        r = i // jnp.int32(D // 16)
        col = i % jnp.int32(D // 16)
        rows0[r, pl.ds(col * i16, 16)] = jnp.zeros((16,), jnp.float32)
        return c

    lax.fori_loop(jnp.int32(0), jnp.int32(CK * (D // 16)), _z, jnp.int32(0))

    def _fill(k, c):
        pltpu.async_copy(rows0, acc.at[pl.ds(base + k * jnp.int32(CK), CK)], sem1)
        return c

    def _fill_drain(k, c):
        pltpu.make_async_copy(
            g_hbm.at[pl.ds(jnp.int32(0), CK)], rows0, sem1
        ).wait()
        return c

    lax.fori_loop(jnp.int32(0), jnp.int32(RPT // CK), _fill, jnp.int32(0))
    lax.fori_loop(jnp.int32(0), jnp.int32(RPT // CK), _fill_drain, jnp.int32(0))
    pltpu.make_async_copy(src_hbm.at[wid, pl.ds(jnp.int32(0), HC)], sbuf, sem0).wait()
    pltpu.make_async_copy(dst_hbm.at[wid, pl.ds(jnp.int32(0), HC)], dbuf, sem0).wait()
    plsc.subcore_barrier()


    def _start(i, buf, sem):
        pltpu.async_copy(g_hbm.at[sbuf.at[i]], buf, sem)

    def _wait(buf, sem):
        pltpu.make_async_copy(g_hbm.at[pl.ds(jnp.int32(0), CK)], buf, sem).wait()

    for h in range(NCHUNK // HC):
        if h:
            pltpu.sync_copy(src_hbm.at[wid, pl.ds(h * HC, HC)], sbuf)
            pltpu.sync_copy(dst_hbm.at[wid, pl.ds(h * HC, HC)], dbuf)
        _start(jnp.int32(0), rows0, sem0)

        def _pair(j, c):
            i0 = j * jnp.int32(2)
            i1 = i0 + jnp.int32(1)
            _start(i1, rows1, sem1)
            _wait(rows0, sem0)
            pltpu.sync_copy(rows0, acc.at[dbuf.at[i0]], add=True)

            @pl.when(i1 + jnp.int32(1) < jnp.int32(HC))
            def _():
                _start(i1 + jnp.int32(1), rows0, sem0)

            _wait(rows1, sem1)
            pltpu.sync_copy(rows1, acc.at[dbuf.at[i1]], add=True)
            return c

        lax.fori_loop(jnp.int32(0), jnp.int32(HC // 2), _pair, jnp.int32(0))
    plsc.subcore_barrier()

    pltpu.sync_copy(
        acc.at[pl.ds(base, RPT)], p_out.at[cid, pl.ds(base, RPT)]
    )


def _sc_scatter(g, src3, dst3):
    kfn = pl.kernel(
        _scatter_body,
        out_type=jax.ShapeDtypeStruct((NC, NP, D), jnp.float32),
        mesh=_mesh(),
        scratch_types=[
            pltpu.VMEM((HC, CK), jnp.int32),
            pltpu.VMEM((HC, CK), jnp.int32),
            pltpu.VMEM((CK, D), jnp.float32),
            pltpu.VMEM((CK, D), jnp.float32),
            pltpu.SemaphoreType.DMA,
            pltpu.SemaphoreType.DMA,
            pltpu.VMEM_SHARED((NP, D), jnp.float32),
        ],
    )
    return kfn(g, src3, dst3)


def _linear_body(x_ref, w_ref, deg_ref, g_ref):
    h = jnp.dot(x_ref[...], w_ref[...], preferred_element_type=jnp.float32)
    g_ref[...] = h * lax.rsqrt(deg_ref[...])


def _tc_linear(x, w, deg_col):
    return pl.pallas_call(
        _linear_body,
        grid=(NP // BR,),
        in_specs=[
            pl.BlockSpec((BR, D), lambda i: (i, jnp.int32(0))),
            pl.BlockSpec((D, D), lambda i: (jnp.int32(0), jnp.int32(0))),
            pl.BlockSpec((BR, 1), lambda i: (i, jnp.int32(0))),
        ],
        out_specs=pl.BlockSpec((BR, D), lambda i: (i, jnp.int32(0))),
        out_shape=jax.ShapeDtypeStruct((NP, D), jnp.float32),
    )(x, w, deg_col)


def _final_body(g_ref, p0_ref, p1_ref, deg_ref, b_ref, o_ref):
    s = g_ref[...] + p0_ref[...] + p1_ref[...]
    o_ref[...] = jnp.maximum(s * lax.rsqrt(deg_ref[...]) + b_ref[...], 0.0)


def _tc_final(g, p0, p1, deg_col, b2):
    return pl.pallas_call(
        _final_body,
        grid=(NP // BR,),
        in_specs=[
            pl.BlockSpec((BR, D), lambda i: (i, jnp.int32(0))),
            pl.BlockSpec((BR, D), lambda i: (i, jnp.int32(0))),
            pl.BlockSpec((BR, D), lambda i: (i, jnp.int32(0))),
            pl.BlockSpec((BR, 1), lambda i: (i, jnp.int32(0))),
            pl.BlockSpec((1, D), lambda i: (jnp.int32(0), jnp.int32(0))),
        ],
        out_specs=pl.BlockSpec((BR, D), lambda i: (i, jnp.int32(0))),
        out_shape=jax.ShapeDtypeStruct((N, D), jnp.float32),
    )(g, p0, p1, deg_col, b2)


def kernel(x, edge_index, W, b):
    ei = edge_index.astype(jnp.int32)
    padv = N + (jnp.arange(EP - E, dtype=jnp.int32) % (NP - N))
    ei = jnp.concatenate([ei, jnp.stack([padv, padv])], axis=1)
    src3 = ei[0].reshape(NW, NCHUNK, CK)
    dst3 = ei[1].reshape(NW, NCHUNK, CK)

    deg_parts = _sc_degree(dst3)
    deg_col = (deg_parts[0] + deg_parts[1] + 1.0).reshape(NP, 1)

    g = _tc_linear(x.astype(jnp.float32), W.astype(jnp.float32), deg_col)
    p = _sc_scatter(g, src3, dst3)
    return _tc_final(g, p[0], p[1], deg_col, b.astype(jnp.float32).reshape(1, D))

# --- scband reference (transcript-rebuilt; emitter-appended) ---
"""Pipeline reference for scband-gcnblock-62612033241111 (READ-ONLY COPY).

The authoritative reference and input builder live on the scoring server;
editing this copy changes nothing except your own understanding.
"""

import jax
jax.config.update('jax_enable_x64', True)
import jax.numpy as jnp
import numpy as np

N = 10000
E = 320000
D_IN = 128
D_OUT = 128


def setup_inputs(seed: int = 0) -> dict:
    key = jax.random.key(seed)
    k1, k2, k3, k4 = jax.random.split(key, 4)
    x = jax.random.normal(k1, (N, D_IN), dtype=jnp.float32)
    edge_index = jax.random.randint(k2, (2, E), 0, N, dtype=jnp.int64)
    # GCNConv linear weight + bias (glorot-ish init)
    W = jax.random.normal(k3, (D_IN, D_OUT), dtype=jnp.float32) * (1.0 / np.sqrt(D_IN))
    b = jnp.zeros((D_OUT,), dtype=jnp.float32)
    return {"x": x, "edge_index": edge_index, "W": W, "b": b}


def reference(x, edge_index, W, b):
    # Faithful GCNConv: add self-loops, symmetric normalization D^-1/2 A D^-1/2,
    # linear transform, scatter-add aggregation, bias, then ReLU.
    # Dropout is identity in eval / deterministic mode.
    src = edge_index[0]
    dst = edge_index[1]
    loop = jnp.arange(N, dtype=src.dtype)
    src = jnp.concatenate([src, loop], axis=0)
    dst = jnp.concatenate([dst, loop], axis=0)

    deg = jnp.zeros((N,), dtype=jnp.float32).at[dst].add(1.0)
    deg_inv_sqrt = jnp.where(deg > 0, deg ** -0.5, 0.0)
    norm = deg_inv_sqrt[src] * deg_inv_sqrt[dst]

    h = x @ W  # [N, D_OUT]
    msgs = h[src] * norm[:, None]  # gather by src (SparseCore gather)
    out = jnp.zeros((N, D_OUT), dtype=jnp.float32).at[dst].add(msgs)  # scatter-add
    out = out + b
    out = jax.nn.relu(out)
    return out

if __name__ == "__main__":
    import jax
    _d = setup_inputs()
    print(jax.jit(kernel)(*tuple(_d.values())))

</pallas_src>

<mosaic_0001>
#map = affine_map<(d0, d1) -> (0, 0, 0)>
#map1 = affine_map<(d0, d1) -> (0, 0)>
module attributes {stable_mosaic.version = 14 : i64} {
  func.func @_deg_body(%arg0: i32, %arg1: i32, %arg2: memref<32x80x128xi32, #tpu.memory_space<hbm>>, %arg3: memref<2x10240xf32, #tpu.memory_space<hbm>>, %arg4: memref<80x128xi32, #tpu.memory_space<vmem>>, %arg5: memref<128xf32, #tpu.memory_space<vmem>>, %arg6: memref<640xf32, #tpu.memory_space<vmem>>, %arg7: memref<!tpu.dma_semaphore, #tpu.memory_space<semaphore_mem>>, %arg8: memref<10240xf32, #tpu.memory_space<vmem_shared>>) attributes {dimension_semantics = [#tpu.dimension_semantics<core_parallel>, #tpu.dimension_semantics<subcore_parallel>], iteration_bounds = array<i64: 2, 16>, scalar_prefetch = 0 : i64, scratch_operands = 5 : i64, tpu.core_type = #tpu.core_type<sc_vector_subcore>, window_params = [{transform_indices = #map}, {transform_indices = #map1}]} {
    %mul3A = arith.constant 16 : i32
    %mul3A_0 = arith.muli %arg0, %mul3A : i32
    %add3A = arith.addi %mul3A_0, %arg1 : i32
    %dma_start3A = arith.constant 0 : i32
    %dma_start3A_1 = arith.constant 0 : i32
    %dma_start3A_2 = tpu.memref_slice %arg2[%add3A, %dma_start3A, %dma_start3A_1] : memref<32x80x128xi32, #tpu.memory_space<hbm>> -> memref<1x80x128xi32, #tpu.memory_space<hbm>>
    %dma_start3A_3 = tpu.memref_squeeze %dma_start3A_2 : memref<1x80x128xi32, #tpu.memory_space<hbm>> -> memref<80x128xi32, #tpu.memory_space<hbm>>
    %dma_start3A_4 = arith.constant 0 : i32
    %dma_start3A_5 = arith.constant 0 : i32
    %dma_start3A_6 = tpu.memref_slice %arg2[%add3A, %dma_start3A_4, %dma_start3A_5] : memref<32x80x128xi32, #tpu.memory_space<hbm>> -> memref<1x80x128xi32, #tpu.memory_space<hbm>>
    %dma_start3A_7 = tpu.memref_squeeze %dma_start3A_6 : memref<1x80x128xi32, #tpu.memory_space<hbm>> -> memref<80x128xi32, #tpu.memory_space<hbm>>
    tpu.enqueue_dma source(%dma_start3A_7 : memref<80x128xi32, #tpu.memory_space<hbm>>) target(%arg4 : memref<80x128xi32, #tpu.memory_space<vmem>>) target_semaphore(%arg7 : memref<!tpu.dma_semaphore, #tpu.memory_space<semaphore_mem>>)
    %while3A = arith.constant 0 : i32
    %while3A_8 = arith.constant 16 : i32
    %while3A_9 = arith.constant 0 : i32
    %while3A_10 = arith.constant 40 : i32
    %while3A_11 = arith.subi %while3A_10, %while3A_9 : i32
    %while3A_12 = arith.addi %while3A_9, %while3A_11 : i32
    %while3A_13 = arith.constant 1 : i32
    %while3A_14 = arith.divsi %while3A_11, %while3A_13 : i32
    %while3A_15 = arith.muli %while3A_14, %while3A_13 : i32
    %while3A_16 = arith.addi %while3A_9, %while3A_15 : i32
    %while3A_17 = arith.constant 1 : i32
    scf.for %while3A_67 = %while3A_9 to %while3A_16 step %while3A_17  : i32 {
      %broadcast_in_dim3A = arith.constant 0.000000e+00 : f32
      %broadcast_in_dim3A_68 = vector.broadcast %broadcast_in_dim3A : f32 to vector<16xf32>
      %mul3A_69 = arith.muli %while3A_67, %while3A_8 : i32
      %swap3A = arith.index_cast %mul3A_69 : i32 to index
      %swap3A_70 = tpu.vector_load %arg6[%swap3A] {strides = array<i32>} : memref<640xf32, #tpu.memory_space<vmem>>, vector<16xf32>,
      %swap3A_71 = vector.shape_cast %swap3A_70 : vector<16xf32> to vector<16xf32>
      %swap3A_72 = vector.shape_cast %broadcast_in_dim3A_68 : vector<16xf32> to vector<16xf32>
      tpu.vector_store %arg6[%swap3A], %swap3A_72 {strides = array<i32>} : memref<640xf32, #tpu.memory_space<vmem>>, vector<16xf32>,
    }
    %while3A_18 = arith.constant 1 : i32
    scf.for %while3A_67 = %while3A_16 to %while3A_12 step %while3A_18  : i32 {
      %broadcast_in_dim3A = arith.constant 0.000000e+00 : f32
      %broadcast_in_dim3A_68 = vector.broadcast %broadcast_in_dim3A : f32 to vector<16xf32>
      %mul3A_69 = arith.muli %while3A_67, %while3A_8 : i32
      %swap3A = arith.index_cast %mul3A_69 : i32 to index
      %swap3A_70 = tpu.vector_load %arg6[%swap3A] {strides = array<i32>} : memref<640xf32, #tpu.memory_space<vmem>>, vector<16xf32>,
      %swap3A_71 = vector.shape_cast %swap3A_70 : vector<16xf32> to vector<16xf32>
      %swap3A_72 = vector.shape_cast %broadcast_in_dim3A_68 : vector<16xf32> to vector<16xf32>
      tpu.vector_store %arg6[%swap3A], %swap3A_72 {strides = array<i32>} : memref<640xf32, #tpu.memory_space<vmem>>, vector<16xf32>,
    }
    %mul3A_19 = arith.constant 640 : i32
    %mul3A_20 = arith.muli %arg1, %mul3A_19 : i32
    "tpu.region"() ({
      %run_scoped3A = tpu.sem_alloc : memref<!tpu.dma_semaphore, #tpu.memory_space<semaphore_mem>>
      %dma_start3A_67 = tpu.memref_slice %arg8[%mul3A_20] : memref<10240xf32, #tpu.memory_space<vmem_shared>> -> memref<640xf32, #tpu.memory_space<vmem_shared>>
      %dma_start3A_68 = tpu.memref_slice %arg8[%mul3A_20] : memref<10240xf32, #tpu.memory_space<vmem_shared>> -> memref<640xf32, #tpu.memory_space<vmem_shared>>
      tpu.enqueue_dma source(%arg6 : memref<640xf32, #tpu.memory_space<vmem>>) target(%dma_start3A_68 : memref<640xf32, #tpu.memory_space<vmem_shared>>) target_semaphore(%run_scoped3A : memref<!tpu.dma_semaphore, #tpu.memory_space<semaphore_mem>>)
      %dma_wait3A_69 = tpu.memref_slice %arg8[%mul3A_20] : memref<10240xf32, #tpu.memory_space<vmem_shared>> -> memref<640xf32, #tpu.memory_space<vmem_shared>>
      %dma_wait3A_70 = tpu.memref_slice %arg8[%mul3A_20] : memref<10240xf32, #tpu.memory_space<vmem_shared>> -> memref<640xf32, #tpu.memory_space<vmem_shared>>
      tpu.wait_dma2 semaphore(%run_scoped3A : memref<!tpu.dma_semaphore, #tpu.memory_space<semaphore_mem>>) src(%arg6 : memref<640xf32, #tpu.memory_space<vmem>>) dst(%dma_wait3A_70 : memref<640xf32, #tpu.memory_space<vmem_shared>>)
      tpu.yield
    }) : () -> ()
    %while3A_21 = arith.constant 0 : i32
    %while3A_22 = arith.constant 16 : i32
    %while3A_23 = arith.constant 0 : i32
    %while3A_24 = arith.constant 8 : i32
    %while3A_25 = arith.subi %while3A_24, %while3A_23 : i32
    %while3A_26 = arith.addi %while3A_23, %while3A_25 : i32
    %while3A_27 = arith.constant 1 : i32
    %while3A_28 = arith.divsi %while3A_25, %while3A_27 : i32
    %while3A_29 = arith.muli %while3A_28, %while3A_27 : i32
    %while3A_30 = arith.addi %while3A_23, %while3A_29 : i32
    %while3A_31 = arith.constant 1 : i32
    scf.for %while3A_67 = %while3A_23 to %while3A_30 step %while3A_31  : i32 {
      %broadcast_in_dim3A = arith.constant 1.000000e+00 : f32
      %broadcast_in_dim3A_68 = vector.broadcast %broadcast_in_dim3A : f32 to vector<16xf32>
      %mul3A_69 = arith.muli %while3A_67, %while3A_22 : i32
      %swap3A = arith.index_cast %mul3A_69 : i32 to index
      %swap3A_70 = tpu.vector_load %arg5[%swap3A] {strides = array<i32>} : memref<128xf32, #tpu.memory_space<vmem>>, vector<16xf32>,
      %swap3A_71 = vector.shape_cast %swap3A_70 : vector<16xf32> to vector<16xf32>
      %swap3A_72 = vector.shape_cast %broadcast_in_dim3A_68 : vector<16xf32> to vector<16xf32>
      tpu.vector_store %arg5[%swap3A], %swap3A_72 {strides = array<i32>} : memref<128xf32, #tpu.memory_space<vmem>>, vector<16xf32>,
    }
    %while3A_32 = arith.constant 1 : i32
    scf.for %while3A_67 = %while3A_30 to %while3A_26 step %while3A_32  : i32 {
      %broadcast_in_dim3A = arith.constant 1.000000e+00 : f32
      %broadcast_in_dim3A_68 = vector.broadcast %broadcast_in_dim3A : f32 to vector<16xf32>
      %mul3A_69 = arith.muli %while3A_67, %while3A_22 : i32
      %swap3A = arith.index_cast %mul3A_69 : i32 to index
      %swap3A_70 = tpu.vector_load %arg5[%swap3A] {strides = array<i32>} : memref<128xf32, #tpu.memory_space<vmem>>, vector<16xf32>,
      %swap3A_71 = vector.shape_cast %swap3A_70 : vector<16xf32> to vector<16xf32>
      %swap3A_72 = vector.shape_cast %broadcast_in_dim3A_68 : vector<16xf32> to vector<16xf32>
      tpu.vector_store %arg5[%swap3A], %swap3A_72 {strides = array<i32>} : memref<128xf32, #tpu.memory_space<vmem>>, vector<16xf32>,
    }
    %dma_wait3A = arith.constant 0 : i32
    %dma_wait3A_33 = arith.constant 0 : i32
    %dma_wait3A_34 = tpu.memref_slice %arg2[%add3A, %dma_wait3A, %dma_wait3A_33] : memref<32x80x128xi32, #tpu.memory_space<hbm>> -> memref<1x80x128xi32, #tpu.memory_space<hbm>>
    %dma_wait3A_35 = tpu.memref_squeeze %dma_wait3A_34 : memref<1x80x128xi32, #tpu.memory_space<hbm>> -> memref<80x128xi32, #tpu.memory_space<hbm>>
    %dma_wait3A_36 = arith.constant 0 : i32
    %dma_wait3A_37 = arith.constant 0 : i32
    %dma_wait3A_38 = tpu.memref_slice %arg2[%add3A, %dma_wait3A_36, %dma_wait3A_37] : memref<32x80x128xi32, #tpu.memory_space<hbm>> -> memref<1x80x128xi32, #tpu.memory_space<hbm>>
    %dma_wait3A_39 = tpu.memref_squeeze %dma_wait3A_38 : memref<1x80x128xi32, #tpu.memory_space<hbm>> -> memref<80x128xi32, #tpu.memory_space<hbm>>
    tpu.wait_dma2 semaphore(%arg7 : memref<!tpu.dma_semaphore, #tpu.memory_space<semaphore_mem>>) src(%dma_wait3A_39 : memref<80x128xi32, #tpu.memory_space<hbm>>) dst(%arg4 : memref<80x128xi32, #tpu.memory_space<vmem>>)
    %barrier3A = arith.constant 0 : index
    tpu.barrier barrier_id(%barrier3A)
    %while3A_40 = arith.constant 0 : i32
    %while3A_41 = arith.constant 0 : i32
    %while3A_42 = arith.constant 80 : i32
    %while3A_43 = arith.subi %while3A_42, %while3A_41 : i32
    %while3A_44 = arith.addi %while3A_41, %while3A_43 : i32
    %while3A_45 = arith.constant 1 : i32
    %while3A_46 = arith.divsi %while3A_43, %while3A_45 : i32
    %while3A_47 = arith.muli %while3A_46, %while3A_45 : i32
    %while3A_48 = arith.addi %while3A_41, %while3A_47 : i32
    %while3A_49 = arith.constant 1 : i32
    scf.for %while3A_67 = %while3A_41 to %while3A_48 step %while3A_49  : i32 {
      %dma_start3A_68 = arith.constant 0 : i32
      %dma_start3A_69 = tpu.memref_slice %arg4[%while3A_67, %dma_start3A_68] : memref<80x128xi32, #tpu.memory_space<vmem>> -> memref<1x128xi32, #tpu.memory_space<vmem>>
      %dma_start3A_70 = tpu.memref_squeeze %dma_start3A_69 : memref<1x128xi32, #tpu.memory_space<vmem>> -> memref<128xi32, #tpu.memory_space<vmem>>
      %dma_start3A_71 = arith.constant 0 : i32
      %dma_start3A_72 = tpu.memref_slice %arg8[%dma_start3A_71] : memref<10240xf32, #tpu.memory_space<vmem_shared>> -> memref<10240xf32, #tpu.memory_space<vmem_shared>>
      tpu.enqueue_indirect_dma source(%arg5 : memref<128xf32, #tpu.memory_space<vmem>>) target(%dma_start3A_72 : memref<10240xf32, #tpu.memory_space<vmem_shared>>) offsets(%dma_start3A_70 : memref<128xi32, #tpu.memory_space<vmem>>) semaphore(%arg7 : memref<!tpu.dma_semaphore, #tpu.memory_space<semaphore_mem>>) {add = true}
    }
    %while3A_50 = arith.constant 1 : i32
    scf.for %while3A_67 = %while3A_48 to %while3A_44 step %while3A_50  : i32 {
      %dma_start3A_68 = arith.constant 0 : i32
      %dma_start3A_69 = tpu.memref_slice %arg4[%while3A_67, %dma_start3A_68] : memref<80x128xi32, #tpu.memory_space<vmem>> -> memref<1x128xi32, #tpu.memory_space<vmem>>
      %dma_start3A_70 = tpu.memref_squeeze %dma_start3A_69 : memref<1x128xi32, #tpu.memory_space<vmem>> -> memref<128xi32, #tpu.memory_space<vmem>>
      %dma_start3A_71 = arith.constant 0 : i32
      %dma_start3A_72 = tpu.memref_slice %arg8[%dma_start3A_71] : memref<10240xf32, #tpu.memory_space<vmem_shared>> -> memref<10240xf32, #tpu.memory_space<vmem_shared>>
      tpu.enqueue_indirect_dma source(%arg5 : memref<128xf32, #tpu.memory_space<vmem>>) target(%dma_start3A_72 : memref<10240xf32, #tpu.memory_space<vmem_shared>>) offsets(%dma_start3A_70 : memref<128xi32, #tpu.memory_space<vmem>>) semaphore(%arg7 : memref<!tpu.dma_semaphore, #tpu.memory_space<semaphore_mem>>) {add = true}
    }
    %while3A_51 = arith.constant 0 : i32
    %while3A_52 = arith.constant 0 : i32
    %while3A_53 = arith.constant 80 : i32
    %while3A_54 = arith.subi %while3A_53, %while3A_52 : i32
    %while3A_55 = arith.addi %while3A_52, %while3A_54 : i32
    %while3A_56 = arith.constant 1 : i32
    %while3A_57 = arith.divsi %while3A_54, %while3A_56 : i32
    %while3A_58 = arith.muli %while3A_57, %while3A_56 : i32
    %while3A_59 = arith.addi %while3A_52, %while3A_58 : i32
    %while3A_60 = arith.constant 1 : i32
    scf.for %while3A_67 = %while3A_52 to %while3A_59 step %while3A_60  : i32 {
      %dma_wait3A_68 = arith.constant 0 : i32
      %dma_wait3A_69 = tpu.memref_slice %arg3[%arg0, %dma_wait3A_68] : memref<2x10240xf32, #tpu.memory_space<hbm>> -> memref<1x128xf32, #tpu.memory_space<hbm>>
      %dma_wait3A_70 = tpu.memref_squeeze %dma_wait3A_69 : memref<1x128xf32, #tpu.memory_space<hbm>> -> memref<128xf32, #tpu.memory_space<hbm>>
      %dma_wait3A_71 = tpu.memref_slice %arg3[%arg0, %dma_wait3A_68] : memref<2x10240xf32, #tpu.memory_space<hbm>> -> memref<1x128xf32, #tpu.memory_space<hbm>>
      %dma_wait3A_72 = tpu.memref_squeeze %dma_wait3A_71 : memref<1x128xf32, #tpu.memory_space<hbm>> -> memref<128xf32, #tpu.memory_space<hbm>>
      tpu.wait_dma2 semaphore(%arg7 : memref<!tpu.dma_semaphore, #tpu.memory_space<semaphore_mem>>) src(%dma_wait3A_72 : memref<128xf32, #tpu.memory_space<hbm>>) dst(%arg5 : memref<128xf32, #tpu.memory_space<vmem>>)
    }
    %while3A_61 = arith.constant 1 : i32
    scf.for %while3A_67 = %while3A_59 to %while3A_55 step %while3A_61  : i32 {
      %dma_wait3A_68 = arith.constant 0 : i32
      %dma_wait3A_69 = tpu.memref_slice %arg3[%arg0, %dma_wait3A_68] : memref<2x10240xf32, #tpu.memory_space<hbm>> -> memref<1x128xf32, #tpu.memory_space<hbm>>
      %dma_wait3A_70 = tpu.memref_squeeze %dma_wait3A_69 : memref<1x128xf32, #tpu.memory_space<hbm>> -> memref<128xf32, #tpu.memory_space<hbm>>
      %dma_wait3A_71 = tpu.memref_slice %arg3[%arg0, %dma_wait3A_68] : memref<2x10240xf32, #tpu.memory_space<hbm>> -> memref<1x128xf32, #tpu.memory_space<hbm>>
      %dma_wait3A_72 = tpu.memref_squeeze %dma_wait3A_71 : memref<1x128xf32, #tpu.memory_space<hbm>> -> memref<128xf32, #tpu.memory_space<hbm>>
      tpu.wait_dma2 semaphore(%arg7 : memref<!tpu.dma_semaphore, #tpu.memory_space<semaphore_mem>>) src(%dma_wait3A_72 : memref<128xf32, #tpu.memory_space<hbm>>) dst(%arg5 : memref<128xf32, #tpu.memory_space<vmem>>)
    }
    %barrier3A_62 = arith.constant 0 : index
    tpu.barrier barrier_id(%barrier3A_62)
    %mul3A_63 = arith.constant 640 : i32
    %mul3A_64 = arith.muli %arg1, %mul3A_63 : i32
    %mul3A_65 = arith.constant 640 : i32
    %mul3A_66 = arith.muli %arg1, %mul3A_65 : i32
    "tpu.region"() ({
      %run_scoped3A = tpu.sem_alloc : memref<!tpu.dma_semaphore, #tpu.memory_space<semaphore_mem>>
      %dma_start3A_67 = tpu.memref_slice %arg3[%arg0, %mul3A_66] : memref<2x10240xf32, #tpu.memory_space<hbm>> -> memref<1x640xf32, #tpu.memory_space<hbm>>
      %dma_start3A_68 = tpu.memref_squeeze %dma_start3A_67 : memref<1x640xf32, #tpu.memory_space<hbm>> -> memref<640xf32, #tpu.memory_space<hbm>>
      %dma_start3A_69 = tpu.memref_slice %arg8[%mul3A_64] : memref<10240xf32, #tpu.memory_space<vmem_shared>> -> memref<640xf32, #tpu.memory_space<vmem_shared>>
      tpu.enqueue_dma source(%dma_start3A_69 : memref<640xf32, #tpu.memory_space<vmem_shared>>) target(%dma_start3A_68 : memref<640xf32, #tpu.memory_space<hbm>>) target_semaphore(%run_scoped3A : memref<!tpu.dma_semaphore, #tpu.memory_space<semaphore_mem>>)
      %dma_wait3A_70 = tpu.memref_slice %arg3[%arg0, %mul3A_66] : memref<2x10240xf32, #tpu.memory_space<hbm>> -> memref<1x640xf32, #tpu.memory_space<hbm>>
      %dma_wait3A_71 = tpu.memref_squeeze %dma_wait3A_70 : memref<1x640xf32, #tpu.memory_space<hbm>> -> memref<640xf32, #tpu.memory_space<hbm>>
      %dma_wait3A_72 = tpu.memref_slice %arg8[%mul3A_64] : memref<10240xf32, #tpu.memory_space<vmem_shared>> -> memref<640xf32, #tpu.memory_space<vmem_shared>>
      tpu.wait_dma2 semaphore(%run_scoped3A : memref<!tpu.dma_semaphore, #tpu.memory_space<semaphore_mem>>) src(%dma_wait3A_72 : memref<640xf32, #tpu.memory_space<vmem_shared>>) dst(%dma_wait3A_71 : memref<640xf32, #tpu.memory_space<hbm>>)
      tpu.yield
    }) : () -> ()
    return
  }
}

#map = affine_map<(d0, d1) -> (0, 0)>
#map1 = affine_map<(d0, d1) -> (0, 0, 0)>
module attributes {stable_mosaic.version = 14 : i64} {
  func.func @_scatter_body(%arg0: i32, %arg1: i32, %arg2: memref<10240x128xf32, #tpu.memory_space<hbm>>, %arg3: memref<32x80x128xi32, #tpu.memory_space<hbm>>, %arg4: memref<32x80x128xi32, #tpu.memory_space<hbm>>, %arg5: memref<2x10240x128xf32, #tpu.memory_space<hbm>>, %arg6: memref<40x128xi32, #tpu.memory_space<vmem>>, %arg7: memref<40x128xi32, #tpu.memory_space<vmem>>, %arg8: memref<128x128xf32, #tpu.memory_space<vmem>>, %arg9: memref<128x128xf32, #tpu.memory_space<vmem>>, %arg10: memref<!tpu.dma_semaphore, #tpu.memory_space<semaphore_mem>>, %arg11: memref<!tpu.dma_semaphore, #tpu.memory_space<semaphore_mem>>, %arg12: memref<10240x128xf32, #tpu.memory_space<vmem_shared>>) attributes {dimension_semantics = [#tpu.dimension_semantics<core_parallel>, #tpu.dimension_semantics<subcore_parallel>], iteration_bounds = array<i64: 2, 16>, scalar_prefetch = 0 : i64, scratch_operands = 7 : i64, tpu.core_type = #tpu.core_type<sc_vector_subcore>, window_params = [{transform_indices = #map}, {transform_indices = #map1}, {transform_indices = #map1}, {transform_indices = #map1}]} {
    %mul3A = arith.constant 16 : i32
    %mul3A_0 = arith.muli %arg0, %mul3A : i32
    %add3A = arith.addi %mul3A_0, %arg1 : i32
    %mul3A_1 = arith.constant 640 : i32
    %mul3A_2 = arith.muli %arg1, %mul3A_1 : i32
    %dma_start3A = arith.constant 0 : i32
    %dma_start3A_3 = arith.constant 0 : i32
    %dma_start3A_4 = tpu.memref_slice %arg3[%add3A, %dma_start3A, %dma_start3A_3] : memref<32x80x128xi32, #tpu.memory_space<hbm>> -> memref<1x40x128xi32, #tpu.memory_space<hbm>>
    %dma_start3A_5 = tpu.memref_squeeze %dma_start3A_4 : memref<1x40x128xi32, #tpu.memory_space<hbm>> -> memref<40x128xi32, #tpu.memory_space<hbm>>
    %dma_start3A_6 = arith.constant 0 : i32
    %dma_start3A_7 = tpu.memref_slice %arg3[%add3A, %dma_start3A, %dma_start3A_6] : memref<32x80x128xi32, #tpu.memory_space<hbm>> -> memref<1x40x128xi32, #tpu.memory_space<hbm>>
    %dma_start3A_8 = tpu.memref_squeeze %dma_start3A_7 : memref<1x40x128xi32, #tpu.memory_space<hbm>> -> memref<40x128xi32, #tpu.memory_space<hbm>>
    tpu.enqueue_dma source(%dma_start3A_8 : memref<40x128xi32, #tpu.memory_space<hbm>>) target(%arg6 : memref<40x128xi32, #tpu.memory_space<vmem>>) target_semaphore(%arg10 : memref<!tpu.dma_semaphore, #tpu.memory_space<semaphore_mem>>)
    %dma_start3A_9 = arith.constant 0 : i32
    %dma_start3A_10 = arith.constant 0 : i32
    %dma_start3A_11 = tpu.memref_slice %arg4[%add3A, %dma_start3A_9, %dma_start3A_10] : memref<32x80x128xi32, #tpu.memory_space<hbm>> -> memref<1x40x128xi32, #tpu.memory_space<hbm>>
    %dma_start3A_12 = tpu.memref_squeeze %dma_start3A_11 : memref<1x40x128xi32, #tpu.memory_space<hbm>> -> memref<40x128xi32, #tpu.memory_space<hbm>>
    %dma_start3A_13 = arith.constant 0 : i32
    %dma_start3A_14 = tpu.memref_slice %arg4[%add3A, %dma_start3A_9, %dma_start3A_13] : memref<32x80x128xi32, #tpu.memory_space<hbm>> -> memref<1x40x128xi32, #tpu.memory_space<hbm>>
    %dma_start3A_15 = tpu.memref_squeeze %dma_start3A_14 : memref<1x40x128xi32, #tpu.memory_space<hbm>> -> memref<40x128xi32, #tpu.memory_space<hbm>>
    tpu.enqueue_dma source(%dma_start3A_15 : memref<40x128xi32, #tpu.memory_space<hbm>>) target(%arg7 : memref<40x128xi32, #tpu.memory_space<vmem>>) target_semaphore(%arg10 : memref<!tpu.dma_semaphore, #tpu.memory_space<semaphore_mem>>)
    %while3A = arith.constant 0 : i32
    %while3A_16 = arith.constant 16 : i32
    %while3A_17 = arith.constant 0 : i32
    %while3A_18 = arith.constant 1024 : i32
    %while3A_19 = arith.subi %while3A_18, %while3A_17 : i32
    %while3A_20 = arith.addi %while3A_17, %while3A_19 : i32
    %while3A_21 = arith.constant 1 : i32
    %while3A_22 = arith.divsi %while3A_19, %while3A_21 : i32
    %while3A_23 = arith.muli %while3A_22, %while3A_21 : i32
    %while3A_24 = arith.addi %while3A_17, %while3A_23 : i32
    %while3A_25 = arith.constant 1 : i32
    scf.for %while3A_99 = %while3A_17 to %while3A_24 step %while3A_25  : i32 {
      %jit3A = arith.constant 8 : i32
      %div3A = arith.divsi %while3A_99, %jit3A : i32
      %sign3A = arith.constant 0 : i32
      %sign3A_100 = arith.cmpi sgt, %while3A_99, %sign3A : i32
      %sign3A_101 = arith.extui %sign3A_100 : i1 to i32
      %sign3A_102 = arith.constant 0 : i32
      %sign3A_103 = arith.cmpi slt, %while3A_99, %sign3A_102 : i32
      %sign3A_104 = arith.extui %sign3A_103 : i1 to i32
      %sign3A_105 = arith.subi %sign3A_101, %sign3A_104 : i32
      %sign3A_106 = arith.constant 0 : i32
      %sign3A_107 = arith.cmpi sgt, %jit3A, %sign3A_106 : i32
      %sign3A_108 = arith.extui %sign3A_107 : i1 to i32
      %sign3A_109 = arith.constant 0 : i32
      %sign3A_110 = arith.cmpi slt, %jit3A, %sign3A_109 : i32
      %sign3A_111 = arith.extui %sign3A_110 : i1 to i32
      %sign3A_112 = arith.subi %sign3A_108, %sign3A_111 : i32
      %ne3A = arith.cmpi ne, %sign3A_105, %sign3A_112 : i32
      %rem3A = arith.remsi %while3A_99, %jit3A : i32
      %ne3A_113 = arith.constant 0 : i32
      %ne3A_114 = arith.cmpi ne, %rem3A, %ne3A_113 : i32
      %and3A = arith.andi %ne3A, %ne3A_114 : i1
      %sub3A = arith.constant 1 : i32
      %sub3A_115 = arith.subi %div3A, %sub3A : i32
      %select_n3A = arith.select %and3A, %sub3A_115, %div3A : i32
      %jit3A_116 = arith.constant 8 : i32
      %eq3A = arith.constant 0 : i32
      %eq3A_117 = arith.cmpi eq, %jit3A_116, %eq3A : i32
      %jit3A_118 = arith.constant 1 : i32
      %select_n3A_119 = arith.select %eq3A_117, %jit3A_118, %jit3A_116 : i32
      %rem3A_120 = arith.remsi %while3A_99, %select_n3A_119 : i32
      %ne3A_121 = arith.constant 0 : i32
      %ne3A_122 = arith.cmpi ne, %rem3A_120, %ne3A_121 : i32
      %lt3A = arith.constant 0 : i32
      %lt3A_123 = arith.cmpi slt, %rem3A_120, %lt3A : i32
      %lt3A_124 = arith.constant 0 : i32
      %lt3A_125 = arith.cmpi slt, %select_n3A_119, %lt3A_124 : i32
      %ne3A_126 = arith.xori %lt3A_123, %lt3A_125 : i1
      %and3A_127 = arith.andi %ne3A_126, %ne3A_122 : i1
      %add3A_128 = arith.addi %rem3A_120, %select_n3A_119 : i32
      %select_n3A_129 = arith.select %and3A_127, %add3A_128, %rem3A_120 : i32
      %broadcast_in_dim3A = arith.constant 0.000000e+00 : f32
      %broadcast_in_dim3A_130 = vector.broadcast %broadcast_in_dim3A : f32 to vector<16xf32>
      %mul3A_131 = arith.muli %select_n3A_129, %while3A_16 : i32
      %swap3A = arith.index_cast %select_n3A : i32 to index
      %swap3A_132 = arith.index_cast %mul3A_131 : i32 to index
      %swap3A_133 = tpu.vector_load %arg8[%swap3A, %swap3A_132] {strides = array<i32>} : memref<128x128xf32, #tpu.memory_space<vmem>>, vector<1x16xf32>,
      %swap3A_134 = vector.shape_cast %swap3A_133 : vector<1x16xf32> to vector<16xf32>
      %swap3A_135 = vector.shape_cast %broadcast_in_dim3A_130 : vector<16xf32> to vector<1x16xf32>
      tpu.vector_store %arg8[%swap3A, %swap3A_132], %swap3A_135 {strides = array<i32>} : memref<128x128xf32, #tpu.memory_space<vmem>>, vector<1x16xf32>,
    }
    %while3A_26 = arith.constant 1 : i32
    scf.for %while3A_99 = %while3A_24 to %while3A_20 step %while3A_26  : i32 {
      %jit3A = arith.constant 8 : i32
      %div3A = arith.divsi %while3A_99, %jit3A : i32
      %sign3A = arith.constant 0 : i32
      %sign3A_100 = arith.cmpi sgt, %while3A_99, %sign3A : i32
      %sign3A_101 = arith.extui %sign3A_100 : i1 to i32
      %sign3A_102 = arith.constant 0 : i32
      %sign3A_103 = arith.cmpi slt, %while3A_99, %sign3A_102 : i32
      %sign3A_104 = arith.extui %sign3A_103 : i1 to i32
      %sign3A_105 = arith.subi %sign3A_101, %sign3A_104 : i32
      %sign3A_106 = arith.constant 0 : i32
      %sign3A_107 = arith.cmpi sgt, %jit3A, %sign3A_106 : i32
      %sign3A_108 = arith.extui %sign3A_107 : i1 to i32
      %sign3A_109 = arith.constant 0 : i32
      %sign3A_110 = arith.cmpi slt, %jit3A, %sign3A_109 : i32
      %sign3A_111 = arith.extui %sign3A_110 : i1 to i32
      %sign3A_112 = arith.subi %sign3A_108, %sign3A_111 : i32
      %ne3A = arith.cmpi ne, %sign3A_105, %sign3A_112 : i32
      %rem3A = arith.remsi %while3A_99, %jit3A : i32
      %ne3A_113 = arith.constant 0 : i32
      %ne3A_114 = arith.cmpi ne, %rem3A, %ne3A_113 : i32
      %and3A = arith.andi %ne3A, %ne3A_114 : i1
      %sub3A = arith.constant 1 : i32
      %sub3A_115 = arith.subi %div3A, %sub3A : i32
      %select_n3A = arith.select %and3A, %sub3A_115, %div3A : i32
      %jit3A_116 = arith.constant 8 : i32
      %eq3A = arith.constant 0 : i32
      %eq3A_117 = arith.cmpi eq, %jit3A_116, %eq3A : i32
      %jit3A_118 = arith.constant 1 : i32
      %select_n3A_119 = arith.select %eq3A_117, %jit3A_118, %jit3A_116 : i32
      %rem3A_120 = arith.remsi %while3A_99, %select_n3A_119 : i32
      %ne3A_121 = arith.constant 0 : i32
      %ne3A_122 = arith.cmpi ne, %rem3A_120, %ne3A_121 : i32
      %lt3A = arith.constant 0 : i32
      %lt3A_123 = arith.cmpi slt, %rem3A_120, %lt3A : i32
      %lt3A_124 = arith.constant 0 : i32
      %lt3A_125 = arith.cmpi slt, %select_n3A_119, %lt3A_124 : i32
      %ne3A_126 = arith.xori %lt3A_123, %lt3A_125 : i1
      %and3A_127 = arith.andi %ne3A_126, %ne3A_122 : i1
      %add3A_128 = arith.addi %rem3A_120, %select_n3A_119 : i32
      %select_n3A_129 = arith.select %and3A_127, %add3A_128, %rem3A_120 : i32
      %broadcast_in_dim3A = arith.constant 0.000000e+00 : f32
      %broadcast_in_dim3A_130 = vector.broadcast %broadcast_in_dim3A : f32 to vector<16xf32>
      %mul3A_131 = arith.muli %select_n3A_129, %while3A_16 : i32
      %swap3A = arith.index_cast %select_n3A : i32 to index
      %swap3A_132 = arith.index_cast %mul3A_131 : i32 to index
      %swap3A_133 = tpu.vector_load %arg8[%swap3A, %swap3A_132] {strides = array<i32>} : memref<128x128xf32, #tpu.memory_space<vmem>>, vector<1x16xf32>,
      %swap3A_134 = vector.shape_cast %swap3A_133 : vector<1x16xf32> to vector<16xf32>
      %swap3A_135 = vector.shape_cast %broadcast_in_dim3A_130 : vector<16xf32> to vector<1x16xf32>
      tpu.vector_store %arg8[%swap3A, %swap3A_132], %swap3A_135 {strides = array<i32>} : memref<128x128xf32, #tpu.memory_space<vmem>>, vector<1x16xf32>,
    }
    %while3A_27 = arith.constant 0 : i32
    %while3A_28 = arith.constant 0 : i32
    %while3A_29 = arith.constant 5 : i32
    %while3A_30 = arith.subi %while3A_29, %while3A_28 : i32
    %while3A_31 = arith.addi %while3A_28, %while3A_30 : i32
    %while3A_32 = arith.constant 1 : i32
    %while3A_33 = arith.divsi %while3A_30, %while3A_32 : i32
    %while3A_34 = arith.muli %while3A_33, %while3A_32 : i32
    %while3A_35 = arith.addi %while3A_28, %while3A_34 : i32
    %while3A_36 = arith.constant 1 : i32
    scf.for %while3A_99 = %while3A_28 to %while3A_35 step %while3A_36  : i32 {
      %mul3A_100 = arith.constant 128 : i32
      %mul3A_101 = arith.muli %while3A_99, %mul3A_100 : i32
      %add3A_102 = arith.addi %mul3A_2, %mul3A_101 : i32
      %dma_start3A_103 = arith.constant 0 : i32
      %dma_start3A_104 = tpu.memref_slice %arg12[%add3A_102, %dma_start3A_103] : memref<10240x128xf32, #tpu.memory_space<vmem_shared>> -> memref<128x128xf32, #tpu.memory_space<vmem_shared>>
      %dma_start3A_105 = arith.constant 0 : i32
      %dma_start3A_106 = tpu.memref_slice %arg12[%add3A_102, %dma_start3A_105] : memref<10240x128xf32, #tpu.memory_space<vmem_shared>> -> memref<128x128xf32, #tpu.memory_space<vmem_shared>>
      tpu.enqueue_dma source(%arg8 : memref<128x128xf32, #tpu.memory_space<vmem>>) target(%dma_start3A_106 : memref<128x128xf32, #tpu.memory_space<vmem_shared>>) target_semaphore(%arg11 : memref<!tpu.dma_semaphore, #tpu.memory_space<semaphore_mem>>)
    }
    %while3A_37 = arith.constant 1 : i32
    scf.for %while3A_99 = %while3A_35 to %while3A_31 step %while3A_37  : i32 {
      %mul3A_100 = arith.constant 128 : i32
      %mul3A_101 = arith.muli %while3A_99, %mul3A_100 : i32
      %add3A_102 = arith.addi %mul3A_2, %mul3A_101 : i32
      %dma_start3A_103 = arith.constant 0 : i32
      %dma_start3A_104 = tpu.memref_slice %arg12[%add3A_102, %dma_start3A_103] : memref<10240x128xf32, #tpu.memory_space<vmem_shared>> -> memref<128x128xf32, #tpu.memory_space<vmem_shared>>
      %dma_start3A_105 = arith.constant 0 : i32
      %dma_start3A_106 = tpu.memref_slice %arg12[%add3A_102, %dma_start3A_105] : memref<10240x128xf32, #tpu.memory_space<vmem_shared>> -> memref<128x128xf32, #tpu.memory_space<vmem_shared>>
      tpu.enqueue_dma source(%arg8 : memref<128x128xf32, #tpu.memory_space<vmem>>) target(%dma_start3A_106 : memref<128x128xf32, #tpu.memory_space<vmem_shared>>) target_semaphore(%arg11 : memref<!tpu.dma_semaphore, #tpu.memory_space<semaphore_mem>>)
    }
    %while3A_38 = arith.constant 0 : i32
    %while3A_39 = arith.constant 0 : i32
    %while3A_40 = arith.constant 5 : i32
    %while3A_41 = arith.subi %while3A_40, %while3A_39 : i32
    %while3A_42 = arith.addi %while3A_39, %while3A_41 : i32
    %while3A_43 = arith.constant 1 : i32
    %while3A_44 = arith.divsi %while3A_41, %while3A_43 : i32
    %while3A_45 = arith.muli %while3A_44, %while3A_43 : i32
    %while3A_46 = arith.addi %while3A_39, %while3A_45 : i32
    %while3A_47 = arith.constant 1 : i32
    scf.for %while3A_99 = %while3A_39 to %while3A_46 step %while3A_47  : i32 {
      %dma_wait3A_100 = arith.constant 0 : i32
      %dma_wait3A_101 = arith.constant 0 : i32
      %dma_wait3A_102 = tpu.memref_slice %arg2[%dma_wait3A_100, %dma_wait3A_101] : memref<10240x128xf32, #tpu.memory_space<hbm>> -> memref<128x128xf32, #tpu.memory_space<hbm>>
      %dma_wait3A_103 = arith.constant 0 : i32
      %dma_wait3A_104 = tpu.memref_slice %arg2[%dma_wait3A_100, %dma_wait3A_103] : memref<10240x128xf32, #tpu.memory_space<hbm>> -> memref<128x128xf32, #tpu.memory_space<hbm>>
      tpu.wait_dma2 semaphore(%arg11 : memref<!tpu.dma_semaphore, #tpu.memory_space<semaphore_mem>>) src(%dma_wait3A_104 : memref<128x128xf32, #tpu.memory_space<hbm>>) dst(%arg8 : memref<128x128xf32, #tpu.memory_space<vmem>>)
    }
    %while3A_48 = arith.constant 1 : i32
    scf.for %while3A_99 = %while3A_46 to %while3A_42 step %while3A_48  : i32 {
      %dma_wait3A_100 = arith.constant 0 : i32
      %dma_wait3A_101 = arith.constant 0 : i32
      %dma_wait3A_102 = tpu.memref_slice %arg2[%dma_wait3A_100, %dma_wait3A_101] : memref<10240x128xf32, #tpu.memory_space<hbm>> -> memref<128x128xf32, #tpu.memory_space<hbm>>
      %dma_wait3A_103 = arith.constant 0 : i32
      %dma_wait3A_104 = tpu.memref_slice %arg2[%dma_wait3A_100, %dma_wait3A_103] : memref<10240x128xf32, #tpu.memory_space<hbm>> -> memref<128x128xf32, #tpu.memory_space<hbm>>
      tpu.wait_dma2 semaphore(%arg11 : memref<!tpu.dma_semaphore, #tpu.memory_space<semaphore_mem>>) src(%dma_wait3A_104 : memref<128x128xf32, #tpu.memory_space<hbm>>) dst(%arg8 : memref<128x128xf32, #tpu.memory_space<vmem>>)
    }
    %dma_wait3A = arith.constant 0 : i32
    %dma_wait3A_49 = arith.constant 0 : i32
    %dma_wait3A_50 = tpu.memref_slice %arg3[%add3A, %dma_wait3A, %dma_wait3A_49] : memref<32x80x128xi32, #tpu.memory_space<hbm>> -> memref<1x40x128xi32, #tpu.memory_space<hbm>>
    %dma_wait3A_51 = tpu.memref_squeeze %dma_wait3A_50 : memref<1x40x128xi32, #tpu.memory_space<hbm>> -> memref<40x128xi32, #tpu.memory_space<hbm>>
    %dma_wait3A_52 = arith.constant 0 : i32
    %dma_wait3A_53 = tpu.memref_slice %arg3[%add3A, %dma_wait3A, %dma_wait3A_52] : memref<32x80x128xi32, #tpu.memory_space<hbm>> -> memref<1x40x128xi32, #tpu.memory_space<hbm>>
    %dma_wait3A_54 = tpu.memref_squeeze %dma_wait3A_53 : memref<1x40x128xi32, #tpu.memory_space<hbm>> -> memref<40x128xi32, #tpu.memory_space<hbm>>
    tpu.wait_dma2 semaphore(%arg10 : memref<!tpu.dma_semaphore, #tpu.memory_space<semaphore_mem>>) src(%dma_wait3A_54 : memref<40x128xi32, #tpu.memory_space<hbm>>) dst(%arg6 : memref<40x128xi32, #tpu.memory_space<vmem>>)
    %dma_wait3A_55 = arith.constant 0 : i32
    %dma_wait3A_56 = arith.constant 0 : i32
    %dma_wait3A_57 = tpu.memref_slice %arg4[%add3A, %dma_wait3A_55, %dma_wait3A_56] : memref<32x80x128xi32, #tpu.memory_space<hbm>> -> memref<1x40x128xi32, #tpu.memory_space<hbm>>
    %dma_wait3A_58 = tpu.memref_squeeze %dma_wait3A_57 : memref<1x40x128xi32, #tpu.memory_space<hbm>> -> memref<40x128xi32, #tpu.memory_space<hbm>>
    %dma_wait3A_59 = arith.constant 0 : i32
    %dma_wait3A_60 = tpu.memref_slice %arg4[%add3A, %dma_wait3A_55, %dma_wait3A_59] : memref<32x80x128xi32, #tpu.memory_space<hbm>> -> memref<1x40x128xi32, #tpu.memory_space<hbm>>
    %dma_wait3A_61 = tpu.memref_squeeze %dma_wait3A_60 : memref<1x40x128xi32, #tpu.memory_space<hbm>> -> memref<40x128xi32, #tpu.memory_space<hbm>>
    tpu.wait_dma2 semaphore(%arg10 : memref<!tpu.dma_semaphore, #tpu.memory_space<semaphore_mem>>) src(%dma_wait3A_61 : memref<40x128xi32, #tpu.memory_space<hbm>>) dst(%arg7 : memref<40x128xi32, #tpu.memory_space<vmem>>)
    %barrier3A = arith.constant 0 : index
    tpu.barrier barrier_id(%barrier3A)
    %dma_start3A_62 = arith.constant 0 : i32
    %dma_start3A_63 = arith.constant 0 : i32
    %dma_start3A_64 = tpu.memref_slice %arg6[%dma_start3A_62, %dma_start3A_63] : memref<40x128xi32, #tpu.memory_space<vmem>> -> memref<1x128xi32, #tpu.memory_space<vmem>>
    %dma_start3A_65 = tpu.memref_squeeze %dma_start3A_64 : memref<1x128xi32, #tpu.memory_space<vmem>> -> memref<128xi32, #tpu.memory_space<vmem>>
    %dma_start3A_66 = arith.constant 0 : i32
    %dma_start3A_67 = arith.constant 0 : i32
    %dma_start3A_68 = tpu.memref_slice %arg2[%dma_start3A_66, %dma_start3A_67] : memref<10240x128xf32, #tpu.memory_space<hbm>> -> memref<10240x128xf32, #tpu.memory_space<hbm>>
    tpu.enqueue_indirect_dma source(%dma_start3A_68 : memref<10240x128xf32, #tpu.memory_space<hbm>>) target(%arg8 : memref<128x128xf32, #tpu.memory_space<vmem>>) offsets(%dma_start3A_65 : memref<128xi32, #tpu.memory_space<vmem>>) semaphore(%arg10 : memref<!tpu.dma_semaphore, #tpu.memory_space<semaphore_mem>>)
    %while3A_69 = arith.constant 0 : i32
    %while3A_70 = arith.constant 0 : i32
    %while3A_71 = arith.constant 20 : i32
    %while3A_72 = arith.subi %while3A_71, %while3A_70 : i32
    %while3A_73 = arith.addi %while3A_70, %while3A_72 : i32
    %while3A_74 = arith.constant 1 : i32
    %while3A_75 = arith.divsi %while3A_72, %while3A_74 : i32
    %while3A_76 = arith.muli %while3A_75, %while3A_74 : i32
    %while3A_77 = arith.addi %while3A_70, %while3A_76 : i32
    %while3A_78 = arith.constant 1 : i32
    scf.for %while3A_99 = %while3A_70 to %while3A_77 step %while3A_78  : i32 {
      %mul3A_100 = arith.constant 2 : i32
      %mul3A_101 = arith.muli %while3A_99, %mul3A_100 : i32
      %add3A_102 = arith.constant 1 : i32
      %add3A_103 = arith.addi %mul3A_101, %add3A_102 : i32
      %dma_start3A_104 = arith.constant 0 : i32
      %dma_start3A_105 = tpu.memref_slice %arg6[%add3A_103, %dma_start3A_104] : memref<40x128xi32, #tpu.memory_space<vmem>> -> memref<1x128xi32, #tpu.memory_space<vmem>>
      %dma_start3A_106 = tpu.memref_squeeze %dma_start3A_105 : memref<1x128xi32, #tpu.memory_space<vmem>> -> memref<128xi32, #tpu.memory_space<vmem>>
      %dma_start3A_107 = arith.constant 0 : i32
      %dma_start3A_108 = arith.constant 0 : i32
      %dma_start3A_109 = tpu.memref_slice %arg2[%dma_start3A_107, %dma_start3A_108] : memref<10240x128xf32, #tpu.memory_space<hbm>> -> memref<10240x128xf32, #tpu.memory_space<hbm>>
      tpu.enqueue_indirect_dma source(%dma_start3A_109 : memref<10240x128xf32, #tpu.memory_space<hbm>>) target(%arg9 : memref<128x128xf32, #tpu.memory_space<vmem>>) offsets(%dma_start3A_106 : memref<128xi32, #tpu.memory_space<vmem>>) semaphore(%arg11 : memref<!tpu.dma_semaphore, #tpu.memory_space<semaphore_mem>>)
      %dma_wait3A_110 = arith.constant 0 : i32
      %dma_wait3A_111 = arith.constant 0 : i32
      %dma_wait3A_112 = tpu.memref_slice %arg2[%dma_wait3A_110, %dma_wait3A_111] : memref<10240x128xf32, #tpu.memory_space<hbm>> -> memref<128x128xf32, #tpu.memory_space<hbm>>
      %dma_wait3A_113 = arith.constant 0 : i32
      %dma_wait3A_114 = tpu.memref_slice %arg2[%dma_wait3A_110, %dma_wait3A_113] : memref<10240x128xf32, #tpu.memory_space<hbm>> -> memref<128x128xf32, #tpu.memory_space<hbm>>
      tpu.wait_dma2 semaphore(%arg10 : memref<!tpu.dma_semaphore, #tpu.memory_space<semaphore_mem>>) src(%dma_wait3A_114 : memref<128x128xf32, #tpu.memory_space<hbm>>) dst(%arg8 : memref<128x128xf32, #tpu.memory_space<vmem>>)
      "tpu.region"() ({
        %run_scoped3A = tpu.sem_alloc : memref<!tpu.dma_semaphore, #tpu.memory_space<semaphore_mem>>
        %dma_start3A_124 = arith.constant 0 : i32
        %dma_start3A_125 = tpu.memref_slice %arg7[%mul3A_101, %dma_start3A_124] : memref<40x128xi32, #tpu.memory_space<vmem>> -> memref<1x128xi32, #tpu.memory_space<vmem>>
        %dma_start3A_126 = tpu.memref_squeeze %dma_start3A_125 : memref<1x128xi32, #tpu.memory_space<vmem>> -> memref<128xi32, #tpu.memory_space<vmem>>
        %dma_start3A_127 = arith.constant 0 : i32
        %dma_start3A_128 = arith.constant 0 : i32
        %dma_start3A_129 = tpu.memref_slice %arg12[%dma_start3A_127, %dma_start3A_128] : memref<10240x128xf32, #tpu.memory_space<vmem_shared>> -> memref<10240x128xf32, #tpu.memory_space<vmem_shared>>
        tpu.enqueue_indirect_dma source(%arg8 : memref<128x128xf32, #tpu.memory_space<vmem>>) target(%dma_start3A_129 : memref<10240x128xf32, #tpu.memory_space<vmem_shared>>) offsets(%dma_start3A_126 : memref<128xi32, #tpu.memory_space<vmem>>) semaphore(%run_scoped3A : memref<!tpu.dma_semaphore, #tpu.memory_space<semaphore_mem>>) {add = true}
        %dma_wait3A_130 = arith.constant 0 : i32
        %dma_wait3A_131 = tpu.memref_slice %arg7[%mul3A_101, %dma_wait3A_130] : memref<40x128xi32, #tpu.memory_space<vmem>> -> memref<1x128xi32, #tpu.memory_space<vmem>>
        %dma_wait3A_132 = tpu.memref_squeeze %dma_wait3A_131 : memref<1x128xi32, #tpu.memory_space<vmem>> -> memref<128xi32, #tpu.memory_space<vmem>>
        %dma_wait3A_133 = arith.constant 0 : i32
        %dma_wait3A_134 = arith.constant 0 : i32
        %dma_wait3A_135 = tpu.memref_slice %arg12[%dma_wait3A_133, %dma_wait3A_134] : memref<10240x128xf32, #tpu.memory_space<vmem_shared>> -> memref<10240x128xf32, #tpu.memory_space<vmem_shared>>
        tpu.wait_indirect_dma semaphore(%run_scoped3A : memref<!tpu.dma_semaphore, #tpu.memory_space<semaphore_mem>>) src(%arg8 : memref<128x128xf32, #tpu.memory_space<vmem>>) dst(%dma_wait3A_135 : memref<10240x128xf32, #tpu.memory_space<vmem_shared>>)
        tpu.yield
      }) : () -> ()
      %add3A_115 = arith.constant 1 : i32
      %add3A_116 = arith.addi %add3A_103, %add3A_115 : i32
      %lt3A = arith.constant 40 : i32
      %lt3A_117 = arith.cmpi slt, %add3A_116, %lt3A : i32
      %convert_element_type3A = arith.extui %lt3A_117 : i1 to i32
      %cond3A = arith.constant 0 : i32
      %cond3A_118 = arith.cmpi ne, %convert_element_type3A, %cond3A : i32
      scf.if %cond3A_118 {
        %add3A_124 = arith.constant 1 : i32
        %add3A_125 = arith.addi %add3A_103, %add3A_124 : i32
        %dma_start3A_126 = arith.constant 0 : i32
        %dma_start3A_127 = tpu.memref_slice %arg6[%add3A_125, %dma_start3A_126] : memref<40x128xi32, #tpu.memory_space<vmem>> -> memref<1x128xi32, #tpu.memory_space<vmem>>
        %dma_start3A_128 = tpu.memref_squeeze %dma_start3A_127 : memref<1x128xi32, #tpu.memory_space<vmem>> -> memref<128xi32, #tpu.memory_space<vmem>>
        %dma_start3A_129 = arith.constant 0 : i32
        %dma_start3A_130 = arith.constant 0 : i32
        %dma_start3A_131 = tpu.memref_slice %arg2[%dma_start3A_129, %dma_start3A_130] : memref<10240x128xf32, #tpu.memory_space<hbm>> -> memref<10240x128xf32, #tpu.memory_space<hbm>>
        tpu.enqueue_indirect_dma source(%dma_start3A_131 : memref<10240x128xf32, #tpu.memory_space<hbm>>) target(%arg8 : memref<128x128xf32, #tpu.memory_space<vmem>>) offsets(%dma_start3A_128 : memref<128xi32, #tpu.memory_space<vmem>>) semaphore(%arg10 : memref<!tpu.dma_semaphore, #tpu.memory_space<semaphore_mem>>)
      } else {
      }
      %dma_wait3A_119 = arith.constant 0 : i32
      %dma_wait3A_120 = arith.constant 0 : i32
      %dma_wait3A_121 = tpu.memref_slice %arg2[%dma_wait3A_119, %dma_wait3A_120] : memref<10240x128xf32, #tpu.memory_space<hbm>> -> memref<128x128xf32, #tpu.memory_space<hbm>>
      %dma_wait3A_122 = arith.constant 0 : i32
      %dma_wait3A_123 = tpu.memref_slice %arg2[%dma_wait3A_119, %dma_wait3A_122] : memref<10240x128xf32, #tpu.memory_space<hbm>> -> memref<128x128xf32, #tpu.memory_space<hbm>>
      tpu.wait_dma2 semaphore(%arg11 : memref<!tpu.dma_semaphore, #tpu.memory_space<semaphore_mem>>) src(%dma_wait3A_123 : memref<128x128xf32, #tpu.memory_space<hbm>>) dst(%arg9 : memref<128x128xf32, #tpu.memory_space<vmem>>)
      "tpu.region"() ({
        %run_scoped3A = tpu.sem_alloc : memref<!tpu.dma_semaphore, #tpu.memory_space<semaphore_mem>>
        %dma_start3A_124 = arith.constant 0 : i32
        %dma_start3A_125 = tpu.memref_slice %arg7[%add3A_103, %dma_start3A_124] : memref<40x128xi32, #tpu.memory_space<vmem>> -> memref<1x128xi32, #tpu.memory_space<vmem>>
        %dma_start3A_126 = tpu.memref_squeeze %dma_start3A_125 : memref<1x128xi32, #tpu.memory_space<vmem>> -> memref<128xi32, #tpu.memory_space<vmem>>
        %dma_start3A_127 = arith.constant 0 : i32
        %dma_start3A_128 = arith.constant 0 : i32
        %dma_start3A_129 = tpu.memref_slice %arg12[%dma_start3A_127, %dma_start3A_128] : memref<10240x128xf32, #tpu.memory_space<vmem_shared>> -> memref<10240x128xf32, #tpu.memory_space<vmem_shared>>
        tpu.enqueue_indirect_dma source(%arg9 : memref<128x128xf32, #tpu.memory_space<vmem>>) target(%dma_start3A_129 : memref<10240x128xf32, #tpu.memory_space<vmem_shared>>) offsets(%dma_start3A_126 : memref<128xi32, #tpu.memory_space<vmem>>) semaphore(%run_scoped3A : memref<!tpu.dma_semaphore, #tpu.memory_space<semaphore_mem>>) {add = true}
        %dma_wait3A_130 = arith.constant 0 : i32
        %dma_wait3A_131 = tpu.memref_slice %arg7[%add3A_103, %dma_wait3A_130] : memref<40x128xi32, #tpu.memory_space<vmem>> -> memref<1x128xi32, #tpu.memory_space<vmem>>
        %dma_wait3A_132 = tpu.memref_squeeze %dma_wait3A_131 : memref<1x128xi32, #tpu.memory_space<vmem>> -> memref<128xi32, #tpu.memory_space<vmem>>
        %dma_wait3A_133 = arith.constant 0 : i32
        %dma_wait3A_134 = arith.constant 0 : i32
        %dma_wait3A_135 = tpu.memref_slice %arg12[%dma_wait3A_133, %dma_wait3A_134] : memref<10240x128xf32, #tpu.memory_space<vmem_shared>> -> memref<10240x128xf32, #tpu.memory_space<vmem_shared>>
        tpu.wait_indirect_dma semaphore(%run_scoped3A : memref<!tpu.dma_semaphore, #tpu.memory_space<semaphore_mem>>) src(%arg9 : memref<128x128xf32, #tpu.memory_space<vmem>>) dst(%dma_wait3A_135 : memref<10240x128xf32, #tpu.memory_space<vmem_shared>>)
        tpu.yield
      }) : () -> ()
    }
    %while3A_79 = arith.constant 1 : i32
    scf.for %while3A_99 = %while3A_77 to %while3A_73 step %while3A_79  : i32 {
      %mul3A_100 = arith.constant 2 : i32
      %mul3A_101 = arith.muli %while3A_99, %mul3A_100 : i32
      %add3A_102 = arith.constant 1 : i32
      %add3A_103 = arith.addi %mul3A_101, %add3A_102 : i32
      %dma_start3A_104 = arith.constant 0 : i32
      %dma_start3A_105 = tpu.memref_slice %arg6[%add3A_103, %dma_start3A_104] : memref<40x128xi32, #tpu.memory_space<vmem>> -> memref<1x128xi32, #tpu.memory_space<vmem>>
      %dma_start3A_106 = tpu.memref_squeeze %dma_start3A_105 : memref<1x128xi32, #tpu.memory_space<vmem>> -> memref<128xi32, #tpu.memory_space<vmem>>
      %dma_start3A_107 = arith.constant 0 : i32
      %dma_start3A_108 = arith.constant 0 : i32
      %dma_start3A_109 = tpu.memref_slice %arg2[%dma_start3A_107, %dma_start3A_108] : memref<10240x128xf32, #tpu.memory_space<hbm>> -> memref<10240x128xf32, #tpu.memory_space<hbm>>
      tpu.enqueue_indirect_dma source(%dma_start3A_109 : memref<10240x128xf32, #tpu.memory_space<hbm>>) target(%arg9 : memref<128x128xf32, #tpu.memory_space<vmem>>) offsets(%dma_start3A_106 : memref<128xi32, #tpu.memory_space<vmem>>) semaphore(%arg11 : memref<!tpu.dma_semaphore, #tpu.memory_space<semaphore_mem>>)
      %dma_wait3A_110 = arith.constant 0 : i32
      %dma_wait3A_111 = arith.constant 0 : i32
      %dma_wait3A_112 = tpu.memref_slice %arg2[%dma_wait3A_110, %dma_wait3A_111] : memref<10240x128xf32, #tpu.memory_space<hbm>> -> memref<128x128xf32, #tpu.memory_space<hbm>>
      %dma_wait3A_113 = arith.constant 0 : i32
      %dma_wait3A_114 = tpu.memref_slice %arg2[%dma_wait3A_110, %dma_wait3A_113] : memref<10240x128xf32, #tpu.memory_space<hbm>> -> memref<128x128xf32, #tpu.memory_space<hbm>>
      tpu.wait_dma2 semaphore(%arg10 : memref<!tpu.dma_semaphore, #tpu.memory_space<semaphore_mem>>) src(%dma_wait3A_114 : memref<128x128xf32, #tpu.memory_space<hbm>>) dst(%arg8 : memref<128x128xf32, #tpu.memory_space<vmem>>)
      "tpu.region"() ({
        %run_scoped3A = tpu.sem_alloc : memref<!tpu.dma_semaphore, #tpu.memory_space<semaphore_mem>>
        %dma_start3A_124 = arith.constant 0 : i32
        %dma_start3A_125 = tpu.memref_slice %arg7[%mul3A_101, %dma_start3A_124] : memref<40x128xi32, #tpu.memory_space<vmem>> -> memref<1x128xi32, #tpu.memory_space<vmem>>
        %dma_start3A_126 = tpu.memref_squeeze %dma_start3A_125 : memref<1x128xi32, #tpu.memory_space<vmem>> -> memref<128xi32, #tpu.memory_space<vmem>>
        %dma_start3A_127 = arith.constant 0 : i32
        %dma_start3A_128 = arith.constant 0 : i32
        %dma_start3A_129 = tpu.memref_slice %arg12[%dma_start3A_127, %dma_start3A_128] : memref<10240x128xf32, #tpu.memory_space<vmem_shared>> -> memref<10240x128xf32, #tpu.memory_space<vmem_shared>>
        tpu.enqueue_indirect_dma source(%arg8 : memref<128x128xf32, #tpu.memory_space<vmem>>) target(%dma_start3A_129 : memref<10240x128xf32, #tpu.memory_space<vmem_shared>>) offsets(%dma_start3A_126 : memref<128xi32, #tpu.memory_space<vmem>>) semaphore(%run_scoped3A : memref<!tpu.dma_semaphore, #tpu.memory_space<semaphore_mem>>) {add = true}
        %dma_wait3A_130 = arith.constant 0 : i32
        %dma_wait3A_131 = tpu.memref_slice %arg7[%mul3A_101, %dma_wait3A_130] : memref<40x128xi32, #tpu.memory_space<vmem>> -> memref<1x128xi32, #tpu.memory_space<vmem>>
        %dma_wait3A_132 = tpu.memref_squeeze %dma_wait3A_131 : memref<1x128xi32, #tpu.memory_space<vmem>> -> memref<128xi32, #tpu.memory_space<vmem>>
        %dma_wait3A_133 = arith.constant 0 : i32
        %dma_wait3A_134 = arith.constant 0 : i32
        %dma_wait3A_135 = tpu.memref_slice %arg12[%dma_wait3A_133, %dma_wait3A_134] : memref<10240x128xf32, #tpu.memory_space<vmem_shared>> -> memref<10240x128xf32, #tpu.memory_space<vmem_shared>>
        tpu.wait_indirect_dma semaphore(%run_scoped3A : memref<!tpu.dma_semaphore, #tpu.memory_space<semaphore_mem>>) src(%arg8 : memref<128x128xf32, #tpu.memory_space<vmem>>) dst(%dma_wait3A_135 : memref<10240x128xf32, #tpu.memory_space<vmem_shared>>)
        tpu.yield
      }) : () -> ()
      %add3A_115 = arith.constant 1 : i32
      %add3A_116 = arith.addi %add3A_103, %add3A_115 : i32
      %lt3A = arith.constant 40 : i32
      %lt3A_117 = arith.cmpi slt, %add3A_116, %lt3A : i32
      %convert_element_type3A = arith.extui %lt3A_117 : i1 to i32
      %cond3A = arith.constant 0 : i32
      %cond3A_118 = arith.cmpi ne, %convert_element_type3A, %cond3A : i32
      scf.if %cond3A_118 {
        %add3A_124 = arith.constant 1 : i32
        %add3A_125 = arith.addi %add3A_103, %add3A_124 : i32
        %dma_start3A_126 = arith.constant 0 : i32
        %dma_start3A_127 = tpu.memref_slice %arg6[%add3A_125, %dma_start3A_126] : memref<40x128xi32, #tpu.memory_space<vmem>> -> memref<1x128xi32, #tpu.memory_space<vmem>>
        %dma_start3A_128 = tpu.memref_squeeze %dma_start3A_127 : memref<1x128xi32, #tpu.memory_space<vmem>> -> memref<128xi32, #tpu.memory_space<vmem>>
        %dma_start3A_129 = arith.constant 0 : i32
        %dma_start3A_130 = arith.constant 0 : i32
        %dma_start3A_131 = tpu.memref_slice %arg2[%dma_start3A_129, %dma_start3A_130] : memref<10240x128xf32, #tpu.memory_space<hbm>> -> memref<10240x128xf32, #tpu.memory_space<hbm>>
        tpu.enqueue_indirect_dma source(%dma_start3A_131 : memref<10240x128xf32, #tpu.memory_space<hbm>>) target(%arg8 : memref<128x128xf32, #tpu.memory_space<vmem>>) offsets(%dma_start3A_128 : memref<128xi32, #tpu.memory_space<vmem>>) semaphore(%arg10 : memref<!tpu.dma_semaphore, #tpu.memory_space<semaphore_mem>>)
      } else {
      }
      %dma_wait3A_119 = arith.constant 0 : i32
      %dma_wait3A_120 = arith.constant 0 : i32
      %dma_wait3A_121 = tpu.memref_slice %arg2[%dma_wait3A_119, %dma_wait3A_120] : memref<10240x128xf32, #tpu.memory_space<hbm>> -> memref<128x128xf32, #tpu.memory_space<hbm>>
      %dma_wait3A_122 = arith.constant 0 : i32
      %dma_wait3A_123 = tpu.memref_slice %arg2[%dma_wait3A_119, %dma_wait3A_122] : memref<10240x128xf32, #tpu.memory_space<hbm>> -> memref<128x128xf32, #tpu.memory_space<hbm>>
      tpu.wait_dma2 semaphore(%arg11 : memref<!tpu.dma_semaphore, #tpu.memory_space<semaphore_mem>>) src(%dma_wait3A_123 : memref<128x128xf32, #tpu.memory_space<hbm>>) dst(%arg9 : memref<128x128xf32, #tpu.memory_space<vmem>>)
      "tpu.region"() ({
        %run_scoped3A = tpu.sem_alloc : memref<!tpu.dma_semaphore, #tpu.memory_space<semaphore_mem>>
        %dma_start3A_124 = arith.constant 0 : i32
        %dma_start3A_125 = tpu.memref_slice %arg7[%add3A_103, %dma_start3A_124] : memref<40x128xi32, #tpu.memory_space<vmem>> -> memref<1x128xi32, #tpu.memory_space<vmem>>
        %dma_start3A_126 = tpu.memref_squeeze %dma_start3A_125 : memref<1x128xi32, #tpu.memory_space<vmem>> -> memref<128xi32, #tpu.memory_space<vmem>>
        %dma_start3A_127 = arith.constant 0 : i32
        %dma_start3A_128 = arith.constant 0 : i32
        %dma_start3A_129 = tpu.memref_slice %arg12[%dma_start3A_127, %dma_start3A_128] : memref<10240x128xf32, #tpu.memory_space<vmem_shared>> -> memref<10240x128xf32, #tpu.memory_space<vmem_shared>>
        tpu.enqueue_indirect_dma source(%arg9 : memref<128x128xf32, #tpu.memory_space<vmem>>) target(%dma_start3A_129 : memref<10240x128xf32, #tpu.memory_space<vmem_shared>>) offsets(%dma_start3A_126 : memref<128xi32, #tpu.memory_space<vmem>>) semaphore(%run_scoped3A : memref<!tpu.dma_semaphore, #tpu.memory_space<semaphore_mem>>) {add = true}
        %dma_wait3A_130 = arith.constant 0 : i32
        %dma_wait3A_131 = tpu.memref_slice %arg7[%add3A_103, %dma_wait3A_130] : memref<40x128xi32, #tpu.memory_space<vmem>> -> memref<1x128xi32, #tpu.memory_space<vmem>>
        %dma_wait3A_132 = tpu.memref_squeeze %dma_wait3A_131 : memref<1x128xi32, #tpu.memory_space<vmem>> -> memref<128xi32, #tpu.memory_space<vmem>>
        %dma_wait3A_133 = arith.constant 0 : i32
        %dma_wait3A_134 = arith.constant 0 : i32
        %dma_wait3A_135 = tpu.memref_slice %arg12[%dma_wait3A_133, %dma_wait3A_134] : memref<10240x128xf32, #tpu.memory_space<vmem_shared>> -> memref<10240x128xf32, #tpu.memory_space<vmem_shared>>
        tpu.wait_indirect_dma semaphore(%run_scoped3A : memref<!tpu.dma_semaphore, #tpu.memory_space<semaphore_mem>>) src(%arg9 : memref<128x128xf32, #tpu.memory_space<vmem>>) dst(%dma_wait3A_135 : memref<10240x128xf32, #tpu.memory_space<vmem_shared>>)
        tpu.yield
      }) : () -> ()
    }
    "tpu.region"() ({
      %run_scoped3A = tpu.sem_alloc : memref<!tpu.dma_semaphore, #tpu.memory_space<semaphore_mem>>
      %dma_start3A_99 = arith.constant 40 : i32
      %dma_start3A_100 = arith.constant 0 : i32
      %dma_start3A_101 = tpu.memref_slice %arg3[%add3A, %dma_start3A_99, %dma_start3A_100] : memref<32x80x128xi32, #tpu.memory_space<hbm>> -> memref<1x40x128xi32, #tpu.memory_space<hbm>>
      %dma_start3A_102 = tpu.memref_squeeze %dma_start3A_101 : memref<1x40x128xi32, #tpu.memory_space<hbm>> -> memref<40x128xi32, #tpu.memory_space<hbm>>
      %dma_start3A_103 = arith.constant 40 : i32
      %dma_start3A_104 = arith.constant 0 : i32
      %dma_start3A_105 = tpu.memref_slice %arg3[%add3A, %dma_start3A_103, %dma_start3A_104] : memref<32x80x128xi32, #tpu.memory_space<hbm>> -> memref<1x40x128xi32, #tpu.memory_space<hbm>>
      %dma_start3A_106 = tpu.memref_squeeze %dma_start3A_105 : memref<1x40x128xi32, #tpu.memory_space<hbm>> -> memref<40x128xi32, #tpu.memory_space<hbm>>
      tpu.enqueue_dma source(%dma_start3A_106 : memref<40x128xi32, #tpu.memory_space<hbm>>) target(%arg6 : memref<40x128xi32, #tpu.memory_space<vmem>>) target_semaphore(%run_scoped3A : memref<!tpu.dma_semaphore, #tpu.memory_space<semaphore_mem>>)
      %dma_wait3A_107 = arith.constant 40 : i32
      %dma_wait3A_108 = arith.constant 0 : i32
      %dma_wait3A_109 = tpu.memref_slice %arg3[%add3A, %dma_wait3A_107, %dma_wait3A_108] : memref<32x80x128xi32, #tpu.memory_space<hbm>> -> memref<1x40x128xi32, #tpu.memory_space<hbm>>
      %dma_wait3A_110 = tpu.memref_squeeze %dma_wait3A_109 : memref<1x40x128xi32, #tpu.memory_space<hbm>> -> memref<40x128xi32, #tpu.memory_space<hbm>>
      %dma_wait3A_111 = arith.constant 40 : i32
      %dma_wait3A_112 = arith.constant 0 : i32
      %dma_wait3A_113 = tpu.memref_slice %arg3[%add3A, %dma_wait3A_111, %dma_wait3A_112] : memref<32x80x128xi32, #tpu.memory_space<hbm>> -> memref<1x40x128xi32, #tpu.memory_space<hbm>>
      %dma_wait3A_114 = tpu.memref_squeeze %dma_wait3A_113 : memref<1x40x128xi32, #tpu.memory_space<hbm>> -> memref<40x128xi32, #tpu.memory_space<hbm>>
      tpu.wait_dma2 semaphore(%run_scoped3A : memref<!tpu.dma_semaphore, #tpu.memory_space<semaphore_mem>>) src(%dma_wait3A_114 : memref<40x128xi32, #tpu.memory_space<hbm>>) dst(%arg6 : memref<40x128xi32, #tpu.memory_space<vmem>>)
      tpu.yield
    }) : () -> ()
    "tpu.region"() ({
      %run_scoped3A = tpu.sem_alloc : memref<!tpu.dma_semaphore, #tpu.memory_space<semaphore_mem>>
      %dma_start3A_99 = arith.constant 40 : i32
      %dma_start3A_100 = arith.constant 0 : i32
      %dma_start3A_101 = tpu.memref_slice %arg4[%add3A, %dma_start3A_99, %dma_start3A_100] : memref<32x80x128xi32, #tpu.memory_space<hbm>> -> memref<1x40x128xi32, #tpu.memory_space<hbm>>
      %dma_start3A_102 = tpu.memref_squeeze %dma_start3A_101 : memref<1x40x128xi32, #tpu.memory_space<hbm>> -> memref<40x128xi32, #tpu.memory_space<hbm>>
      %dma_start3A_103 = arith.constant 40 : i32
      %dma_start3A_104 = arith.constant 0 : i32
      %dma_start3A_105 = tpu.memref_slice %arg4[%add3A, %dma_start3A_103, %dma_start3A_104] : memref<32x80x128xi32, #tpu.memory_space<hbm>> -> memref<1x40x128xi32, #tpu.memory_space<hbm>>
      %dma_start3A_106 = tpu.memref_squeeze %dma_start3A_105 : memref<1x40x128xi32, #tpu.memory_space<hbm>> -> memref<40x128xi32, #tpu.memory_space<hbm>>
      tpu.enqueue_dma source(%dma_start3A_106 : memref<40x128xi32, #tpu.memory_space<hbm>>) target(%arg7 : memref<40x128xi32, #tpu.memory_space<vmem>>) target_semaphore(%run_scoped3A : memref<!tpu.dma_semaphore, #tpu.memory_space<semaphore_mem>>)
      %dma_wait3A_107 = arith.constant 40 : i32
      %dma_wait3A_108 = arith.constant 0 : i32
      %dma_wait3A_109 = tpu.memref_slice %arg4[%add3A, %dma_wait3A_107, %dma_wait3A_108] : memref<32x80x128xi32, #tpu.memory_space<hbm>> -> memref<1x40x128xi32, #tpu.memory_space<hbm>>
      %dma_wait3A_110 = tpu.memref_squeeze %dma_wait3A_109 : memref<1x40x128xi32, #tpu.memory_space<hbm>> -> memref<40x128xi32, #tpu.memory_space<hbm>>
      %dma_wait3A_111 = arith.constant 40 : i32
      %dma_wait3A_112 = arith.constant 0 : i32
      %dma_wait3A_113 = tpu.memref_slice %arg4[%add3A, %dma_wait3A_111, %dma_wait3A_112] : memref<32x80x128xi32, #tpu.memory_space<hbm>> -> memref<1x40x128xi32, #tpu.memory_space<hbm>>
      %dma_wait3A_114 = tpu.memref_squeeze %dma_wait3A_113 : memref<1x40x128xi32, #tpu.memory_space<hbm>> -> memref<40x128xi32, #tpu.memory_space<hbm>>
      tpu.wait_dma2 semaphore(%run_scoped3A : memref<!tpu.dma_semaphore, #tpu.memory_space<semaphore_mem>>) src(%dma_wait3A_114 : memref<40x128xi32, #tpu.memory_space<hbm>>) dst(%arg7 : memref<40x128xi32, #tpu.memory_space<vmem>>)
      tpu.yield
    }) : () -> ()
    %dma_start3A_80 = arith.constant 0 : i32
    %dma_start3A_81 = arith.constant 0 : i32
    %dma_start3A_82 = tpu.memref_slice %arg6[%dma_start3A_80, %dma_start3A_81] : memref<40x128xi32, #tpu.memory_space<vmem>> -> memref<1x128xi32, #tpu.memory_space<vmem>>
    %dma_start3A_83 = tpu.memref_squeeze %dma_start3A_82 : memref<1x128xi32, #tpu.memory_space<vmem>> -> memref<128xi32, #tpu.memory_space<vmem>>
    %dma_start3A_84 = arith.constant 0 : i32
    %dma_start3A_85 = arith.constant 0 : i32
    %dma_start3A_86 = tpu.memref_slice %arg2[%dma_start3A_84, %dma_start3A_85] : memref<10240x128xf32, #tpu.memory_space<hbm>> -> memref<10240x128xf32, #tpu.memory_space<hbm>>
    tpu.enqueue_indirect_dma source(%dma_start3A_86 : memref<10240x128xf32, #tpu.memory_space<hbm>>) target(%arg8 : memref<128x128xf32, #tpu.memory_space<vmem>>) offsets(%dma_start3A_83 : memref<128xi32, #tpu.memory_space<vmem>>) semaphore(%arg10 : memref<!tpu.dma_semaphore, #tpu.memory_space<semaphore_mem>>)
    %while3A_87 = arith.constant 0 : i32
    %while3A_88 = arith.constant 0 : i32
    %while3A_89 = arith.constant 20 : i32
    %while3A_90 = arith.subi %while3A_89, %while3A_88 : i32
    %while3A_91 = arith.addi %while3A_88, %while3A_90 : i32
    %while3A_92 = arith.constant 1 : i32
    %while3A_93 = arith.divsi %while3A_90, %while3A_92 : i32
    %while3A_94 = arith.muli %while3A_93, %while3A_92 : i32
    %while3A_95 = arith.addi %while3A_88, %while3A_94 : i32
    %while3A_96 = arith.constant 1 : i32
    scf.for %while3A_99 = %while3A_88 to %while3A_95 step %while3A_96  : i32 {
      %mul3A_100 = arith.constant 2 : i32
      %mul3A_101 = arith.muli %while3A_99, %mul3A_100 : i32
      %add3A_102 = arith.constant 1 : i32
      %add3A_103 = arith.addi %mul3A_101, %add3A_102 : i32
      %dma_start3A_104 = arith.constant 0 : i32
      %dma_start3A_105 = tpu.memref_slice %arg6[%add3A_103, %dma_start3A_104] : memref<40x128xi32, #tpu.memory_space<vmem>> -> memref<1x128xi32, #tpu.memory_space<vmem>>
      %dma_start3A_106 = tpu.memref_squeeze %dma_start3A_105 : memref<1x128xi32, #tpu.memory_space<vmem>> -> memref<128xi32, #tpu.memory_space<vmem>>
      %dma_start3A_107 = arith.constant 0 : i32
      %dma_start3A_108 = arith.constant 0 : i32
      %dma_start3A_109 = tpu.memref_slice %arg2[%dma_start3A_107, %dma_start3A_108] : memref<10240x128xf32, #tpu.memory_space<hbm>> -> memref<10240x128xf32, #tpu.memory_space<hbm>>
      tpu.enqueue_indirect_dma source(%dma_start3A_109 : memref<10240x128xf32, #tpu.memory_space<hbm>>) target(%arg9 : memref<128x128xf32, #tpu.memory_space<vmem>>) offsets(%dma_start3A_106 : memref<128xi32, #tpu.memory_space<vmem>>) semaphore(%arg11 : memref<!tpu.dma_semaphore, #tpu.memory_space<semaphore_mem>>)
      %dma_wait3A_110 = arith.constant 0 : i32
      %dma_wait3A_111 = arith.constant 0 : i32
      %dma_wait3A_112 = tpu.memref_slice %arg2[%dma_wait3A_110, %dma_wait3A_111] : memref<10240x128xf32, #tpu.memory_space<hbm>> -> memref<128x128xf32, #tpu.memory_space<hbm>>
      %dma_wait3A_113 = arith.constant 0 : i32
      %dma_wait3A_114 = tpu.memref_slice %arg2[%dma_wait3A_110, %dma_wait3A_113] : memref<10240x128xf32, #tpu.memory_space<hbm>> -> memref<128x128xf32, #tpu.memory_space<hbm>>
      tpu.wait_dma2 semaphore(%arg10 : memref<!tpu.dma_semaphore, #tpu.memory_space<semaphore_mem>>) src(%dma_wait3A_114 : memref<128x128xf32, #tpu.memory_space<hbm>>) dst(%arg8 : memref<128x128xf32, #tpu.memory_space<vmem>>)
      "tpu.region"() ({
        %run_scoped3A = tpu.sem_alloc : memref<!tpu.dma_semaphore, #tpu.memory_space<semaphore_mem>>
        %dma_start3A_124 = arith.constant 0 : i32
        %dma_start3A_125 = tpu.memref_slice %arg7[%mul3A_101, %dma_start3A_124] : memref<40x128xi32, #tpu.memory_space<vmem>> -> memref<1x128xi32, #tpu.memory_space<vmem>>
        %dma_start3A_126 = tpu.memref_squeeze %dma_start3A_125 : memref<1x128xi32, #tpu.memory_space<vmem>> -> memref<128xi32, #tpu.memory_space<vmem>>
        %dma_start3A_127 = arith.constant 0 : i32
        %dma_start3A_128 = arith.constant 0 : i32
        %dma_start3A_129 = tpu.memref_slice %arg12[%dma_start3A_127, %dma_start3A_128] : memref<10240x128xf32, #tpu.memory_space<vmem_shared>> -> memref<10240x128xf32, #tpu.memory_space<vmem_shared>>
        tpu.enqueue_indirect_dma source(%arg8 : memref<128x128xf32, #tpu.memory_space<vmem>>) target(%dma_start3A_129 : memref<10240x128xf32, #tpu.memory_space<vmem_shared>>) offsets(%dma_start3A_126 : memref<128xi32, #tpu.memory_space<vmem>>) semaphore(%run_scoped3A : memref<!tpu.dma_semaphore, #tpu.memory_space<semaphore_mem>>) {add = true}
        %dma_wait3A_130 = arith.constant 0 : i32
        %dma_wait3A_131 = tpu.memref_slice %arg7[%mul3A_101, %dma_wait3A_130] : memref<40x128xi32, #tpu.memory_space<vmem>> -> memref<1x128xi32, #tpu.memory_space<vmem>>
        %dma_wait3A_132 = tpu.memref_squeeze %dma_wait3A_131 : memref<1x128xi32, #tpu.memory_space<vmem>> -> memref<128xi32, #tpu.memory_space<vmem>>
        %dma_wait3A_133 = arith.constant 0 : i32
        %dma_wait3A_134 = arith.constant 0 : i32
        %dma_wait3A_135 = tpu.memref_slice %arg12[%dma_wait3A_133, %dma_wait3A_134] : memref<10240x128xf32, #tpu.memory_space<vmem_shared>> -> memref<10240x128xf32, #tpu.memory_space<vmem_shared>>
        tpu.wait_indirect_dma semaphore(%run_scoped3A : memref<!tpu.dma_semaphore, #tpu.memory_space<semaphore_mem>>) src(%arg8 : memref<128x128xf32, #tpu.memory_space<vmem>>) dst(%dma_wait3A_135 : memref<10240x128xf32, #tpu.memory_space<vmem_shared>>)
        tpu.yield
      }) : () -> ()
      %add3A_115 = arith.constant 1 : i32
      %add3A_116 = arith.addi %add3A_103, %add3A_115 : i32
      %lt3A = arith.constant 40 : i32
      %lt3A_117 = arith.cmpi slt, %add3A_116, %lt3A : i32
      %convert_element_type3A = arith.extui %lt3A_117 : i1 to i32
      %cond3A = arith.constant 0 : i32
      %cond3A_118 = arith.cmpi ne, %convert_element_type3A, %cond3A : i32
      scf.if %cond3A_118 {
        %add3A_124 = arith.constant 1 : i32
        %add3A_125 = arith.addi %add3A_103, %add3A_124 : i32
        %dma_start3A_126 = arith.constant 0 : i32
        %dma_start3A_127 = tpu.memref_slice %arg6[%add3A_125, %dma_start3A_126] : memref<40x128xi32, #tpu.memory_space<vmem>> -> memref<1x128xi32, #tpu.memory_space<vmem>>
        %dma_start3A_128 = tpu.memref_squeeze %dma_start3A_127 : memref<1x128xi32, #tpu.memory_space<vmem>> -> memref<128xi32, #tpu.memory_space<vmem>>
        %dma_start3A_129 = arith.constant 0 : i32
        %dma_start3A_130 = arith.constant 0 : i32
        %dma_start3A_131 = tpu.memref_slice %arg2[%dma_start3A_129, %dma_start3A_130] : memref<10240x128xf32, #tpu.memory_space<hbm>> -> memref<10240x128xf32, #tpu.memory_space<hbm>>
        tpu.enqueue_indirect_dma source(%dma_start3A_131 : memref<10240x128xf32, #tpu.memory_space<hbm>>) target(%arg8 : memref<128x128xf32, #tpu.memory_space<vmem>>) offsets(%dma_start3A_128 : memref<128xi32, #tpu.memory_space<vmem>>) semaphore(%arg10 : memref<!tpu.dma_semaphore, #tpu.memory_space<semaphore_mem>>)
      } else {
      }
      %dma_wait3A_119 = arith.constant 0 : i32
      %dma_wait3A_120 = arith.constant 0 : i32
      %dma_wait3A_121 = tpu.memref_slice %arg2[%dma_wait3A_119, %dma_wait3A_120] : memref<10240x128xf32, #tpu.memory_space<hbm>> -> memref<128x128xf32, #tpu.memory_space<hbm>>
      %dma_wait3A_122 = arith.constant 0 : i32
      %dma_wait3A_123 = tpu.memref_slice %arg2[%dma_wait3A_119, %dma_wait3A_122] : memref<10240x128xf32, #tpu.memory_space<hbm>> -> memref<128x128xf32, #tpu.memory_space<hbm>>
      tpu.wait_dma2 semaphore(%arg11 : memref<!tpu.dma_semaphore, #tpu.memory_space<semaphore_mem>>) src(%dma_wait3A_123 : memref<128x128xf32, #tpu.memory_space<hbm>>) dst(%arg9 : memref<128x128xf32, #tpu.memory_space<vmem>>)
      "tpu.region"() ({
        %run_scoped3A = tpu.sem_alloc : memref<!tpu.dma_semaphore, #tpu.memory_space<semaphore_mem>>
        %dma_start3A_124 = arith.constant 0 : i32
        %dma_start3A_125 = tpu.memref_slice %arg7[%add3A_103, %dma_start3A_124] : memref<40x128xi32, #tpu.memory_space<vmem>> -> memref<1x128xi32, #tpu.memory_space<vmem>>
        %dma_start3A_126 = tpu.memref_squeeze %dma_start3A_125 : memref<1x128xi32, #tpu.memory_space<vmem>> -> memref<128xi32, #tpu.memory_space<vmem>>
        %dma_start3A_127 = arith.constant 0 : i32
        %dma_start3A_128 = arith.constant 0 : i32
        %dma_start3A_129 = tpu.memref_slice %arg12[%dma_start3A_127, %dma_start3A_128] : memref<10240x128xf32, #tpu.memory_space<vmem_shared>> -> memref<10240x128xf32, #tpu.memory_space<vmem_shared>>
        tpu.enqueue_indirect_dma source(%arg9 : memref<128x128xf32, #tpu.memory_space<vmem>>) target(%dma_start3A_129 : memref<10240x128xf32, #tpu.memory_space<vmem_shared>>) offsets(%dma_start3A_126 : memref<128xi32, #tpu.memory_space<vmem>>) semaphore(%run_scoped3A : memref<!tpu.dma_semaphore, #tpu.memory_space<semaphore_mem>>) {add = true}
        %dma_wait3A_130 = arith.constant 0 : i32
        %dma_wait3A_131 = tpu.memref_slice %arg7[%add3A_103, %dma_wait3A_130] : memref<40x128xi32, #tpu.memory_space<vmem>> -> memref<1x128xi32, #tpu.memory_space<vmem>>
        %dma_wait3A_132 = tpu.memref_squeeze %dma_wait3A_131 : memref<1x128xi32, #tpu.memory_space<vmem>> -> memref<128xi32, #tpu.memory_space<vmem>>
        %dma_wait3A_133 = arith.constant 0 : i32
        %dma_wait3A_134 = arith.constant 0 : i32
        %dma_wait3A_135 = tpu.memref_slice %arg12[%dma_wait3A_133, %dma_wait3A_134] : memref<10240x128xf32, #tpu.memory_space<vmem_shared>> -> memref<10240x128xf32, #tpu.memory_space<vmem_shared>>
        tpu.wait_indirect_dma semaphore(%run_scoped3A : memref<!tpu.dma_semaphore, #tpu.memory_space<semaphore_mem>>) src(%arg9 : memref<128x128xf32, #tpu.memory_space<vmem>>) dst(%dma_wait3A_135 : memref<10240x128xf32, #tpu.memory_space<vmem_shared>>)
        tpu.yield
      }) : () -> ()
    }
    %while3A_97 = arith.constant 1 : i32
    scf.for %while3A_99 = %while3A_95 to %while3A_91 step %while3A_97  : i32 {
      %mul3A_100 = arith.constant 2 : i32
      %mul3A_101 = arith.muli %while3A_99, %mul3A_100 : i32
      %add3A_102 = arith.constant 1 : i32
      %add3A_103 = arith.addi %mul3A_101, %add3A_102 : i32
      %dma_start3A_104 = arith.constant 0 : i32
      %dma_start3A_105 = tpu.memref_slice %arg6[%add3A_103, %dma_start3A_104] : memref<40x128xi32, #tpu.memory_space<vmem>> -> memref<1x128xi32, #tpu.memory_space<vmem>>
      %dma_start3A_106 = tpu.memref_squeeze %dma_start3A_105 : memref<1x128xi32, #tpu.memory_space<vmem>> -> memref<128xi32, #tpu.memory_space<vmem>>
      %dma_start3A_107 = arith.constant 0 : i32
      %dma_start3A_108 = arith.constant 0 : i32
      %dma_start3A_109 = tpu.memref_slice %arg2[%dma_start3A_107, %dma_start3A_108] : memref<10240x128xf32, #tpu.memory_space<hbm>> -> memref<10240x128xf32, #tpu.memory_space<hbm>>
      tpu.enqueue_indirect_dma source(%dma_start3A_109 : memref<10240x128xf32, #tpu.memory_space<hbm>>) target(%arg9 : memref<128x128xf32, #tpu.memory_space<vmem>>) offsets(%dma_start3A_106 : memref<128xi32, #tpu.memory_space<vmem>>) semaphore(%arg11 : memref<!tpu.dma_semaphore, #tpu.memory_space<semaphore_mem>>)
      %dma_wait3A_110 = arith.constant 0 : i32
      %dma_wait3A_111 = arith.constant 0 : i32
      %dma_wait3A_112 = tpu.memref_slice %arg2[%dma_wait3A_110, %dma_wait3A_111] : memref<10240x128xf32, #tpu.memory_space<hbm>> -> memref<128x128xf32, #tpu.memory_space<hbm>>
      %dma_wait3A_113 = arith.constant 0 : i32
      %dma_wait3A_114 = tpu.memref_slice %arg2[%dma_wait3A_110, %dma_wait3A_113] : memref<10240x128xf32, #tpu.memory_space<hbm>> -> memref<128x128xf32, #tpu.memory_space<hbm>>
      tpu.wait_dma2 semaphore(%arg10 : memref<!tpu.dma_semaphore, #tpu.memory_space<semaphore_mem>>) src(%dma_wait3A_114 : memref<128x128xf32, #tpu.memory_space<hbm>>) dst(%arg8 : memref<128x128xf32, #tpu.memory_space<vmem>>)
      "tpu.region"() ({
        %run_scoped3A = tpu.sem_alloc : memref<!tpu.dma_semaphore, #tpu.memory_space<semaphore_mem>>
        %dma_start3A_124 = arith.constant 0 : i32
        %dma_start3A_125 = tpu.memref_slice %arg7[%mul3A_101, %dma_start3A_124] : memref<40x128xi32, #tpu.memory_space<vmem>> -> memref<1x128xi32, #tpu.memory_space<vmem>>
        %dma_start3A_126 = tpu.memref_squeeze %dma_start3A_125 : memref<1x128xi32, #tpu.memory_space<vmem>> -> memref<128xi32, #tpu.memory_space<vmem>>
        %dma_start3A_127 = arith.constant 0 : i32
        %dma_start3A_128 = arith.constant 0 : i32
        %dma_start3A_129 = tpu.memref_slice %arg12[%dma_start3A_127, %dma_start3A_128] : memref<10240x128xf32, #tpu.memory_space<vmem_shared>> -> memref<10240x128xf32, #tpu.memory_space<vmem_shared>>
        tpu.enqueue_indirect_dma source(%arg8 : memref<128x128xf32, #tpu.memory_space<vmem>>) target(%dma_start3A_129 : memref<10240x128xf32, #tpu.memory_space<vmem_shared>>) offsets(%dma_start3A_126 : memref<128xi32, #tpu.memory_space<vmem>>) semaphore(%run_scoped3A : memref<!tpu.dma_semaphore, #tpu.memory_space<semaphore_mem>>) {add = true}
        %dma_wait3A_130 = arith.constant 0 : i32
        %dma_wait3A_131 = tpu.memref_slice %arg7[%mul3A_101, %dma_wait3A_130] : memref<40x128xi32, #tpu.memory_space<vmem>> -> memref<1x128xi32, #tpu.memory_space<vmem>>
        %dma_wait3A_132 = tpu.memref_squeeze %dma_wait3A_131 : memref<1x128xi32, #tpu.memory_space<vmem>> -> memref<128xi32, #tpu.memory_space<vmem>>
        %dma_wait3A_133 = arith.constant 0 : i32
        %dma_wait3A_134 = arith.constant 0 : i32
        %dma_wait3A_135 = tpu.memref_slice %arg12[%dma_wait3A_133, %dma_wait3A_134] : memref<10240x128xf32, #tpu.memory_space<vmem_shared>> -> memref<10240x128xf32, #tpu.memory_space<vmem_shared>>
        tpu.wait_indirect_dma semaphore(%run_scoped3A : memref<!tpu.dma_semaphore, #tpu.memory_space<semaphore_mem>>) src(%arg8 : memref<128x128xf32, #tpu.memory_space<vmem>>) dst(%dma_wait3A_135 : memref<10240x128xf32, #tpu.memory_space<vmem_shared>>)
        tpu.yield
      }) : () -> ()
      %add3A_115 = arith.constant 1 : i32
      %add3A_116 = arith.addi %add3A_103, %add3A_115 : i32
      %lt3A = arith.constant 40 : i32
      %lt3A_117 = arith.cmpi slt, %add3A_116, %lt3A : i32
      %convert_element_type3A = arith.extui %lt3A_117 : i1 to i32
      %cond3A = arith.constant 0 : i32
      %cond3A_118 = arith.cmpi ne, %convert_element_type3A, %cond3A : i32
      scf.if %cond3A_118 {
        %add3A_124 = arith.constant 1 : i32
        %add3A_125 = arith.addi %add3A_103, %add3A_124 : i32
        %dma_start3A_126 = arith.constant 0 : i32
        %dma_start3A_127 = tpu.memref_slice %arg6[%add3A_125, %dma_start3A_126] : memref<40x128xi32, #tpu.memory_space<vmem>> -> memref<1x128xi32, #tpu.memory_space<vmem>>
        %dma_start3A_128 = tpu.memref_squeeze %dma_start3A_127 : memref<1x128xi32, #tpu.memory_space<vmem>> -> memref<128xi32, #tpu.memory_space<vmem>>
        %dma_start3A_129 = arith.constant 0 : i32
        %dma_start3A_130 = arith.constant 0 : i32
        %dma_start3A_131 = tpu.memref_slice %arg2[%dma_start3A_129, %dma_start3A_130] : memref<10240x128xf32, #tpu.memory_space<hbm>> -> memref<10240x128xf32, #tpu.memory_space<hbm>>
        tpu.enqueue_indirect_dma source(%dma_start3A_131 : memref<10240x128xf32, #tpu.memory_space<hbm>>) target(%arg8 : memref<128x128xf32, #tpu.memory_space<vmem>>) offsets(%dma_start3A_128 : memref<128xi32, #tpu.memory_space<vmem>>) semaphore(%arg10 : memref<!tpu.dma_semaphore, #tpu.memory_space<semaphore_mem>>)
      } else {
      }
      %dma_wait3A_119 = arith.constant 0 : i32
      %dma_wait3A_120 = arith.constant 0 : i32
      %dma_wait3A_121 = tpu.memref_slice %arg2[%dma_wait3A_119, %dma_wait3A_120] : memref<10240x128xf32, #tpu.memory_space<hbm>> -> memref<128x128xf32, #tpu.memory_space<hbm>>
      %dma_wait3A_122 = arith.constant 0 : i32
      %dma_wait3A_123 = tpu.memref_slice %arg2[%dma_wait3A_119, %dma_wait3A_122] : memref<10240x128xf32, #tpu.memory_space<hbm>> -> memref<128x128xf32, #tpu.memory_space<hbm>>
      tpu.wait_dma2 semaphore(%arg11 : memref<!tpu.dma_semaphore, #tpu.memory_space<semaphore_mem>>) src(%dma_wait3A_123 : memref<128x128xf32, #tpu.memory_space<hbm>>) dst(%arg9 : memref<128x128xf32, #tpu.memory_space<vmem>>)
      "tpu.region"() ({
        %run_scoped3A = tpu.sem_alloc : memref<!tpu.dma_semaphore, #tpu.memory_space<semaphore_mem>>
        %dma_start3A_124 = arith.constant 0 : i32
        %dma_start3A_125 = tpu.memref_slice %arg7[%add3A_103, %dma_start3A_124] : memref<40x128xi32, #tpu.memory_space<vmem>> -> memref<1x128xi32, #tpu.memory_space<vmem>>
        %dma_start3A_126 = tpu.memref_squeeze %dma_start3A_125 : memref<1x128xi32, #tpu.memory_space<vmem>> -> memref<128xi32, #tpu.memory_space<vmem>>
        %dma_start3A_127 = arith.constant 0 : i32
        %dma_start3A_128 = arith.constant 0 : i32
        %dma_start3A_129 = tpu.memref_slice %arg12[%dma_start3A_127, %dma_start3A_128] : memref<10240x128xf32, #tpu.memory_space<vmem_shared>> -> memref<10240x128xf32, #tpu.memory_space<vmem_shared>>
        tpu.enqueue_indirect_dma source(%arg9 : memref<128x128xf32, #tpu.memory_space<vmem>>) target(%dma_start3A_129 : memref<10240x128xf32, #tpu.memory_space<vmem_shared>>) offsets(%dma_start3A_126 : memref<128xi32, #tpu.memory_space<vmem>>) semaphore(%run_scoped3A : memref<!tpu.dma_semaphore, #tpu.memory_space<semaphore_mem>>) {add = true}
        %dma_wait3A_130 = arith.constant 0 : i32
        %dma_wait3A_131 = tpu.memref_slice %arg7[%add3A_103, %dma_wait3A_130] : memref<40x128xi32, #tpu.memory_space<vmem>> -> memref<1x128xi32, #tpu.memory_space<vmem>>
        %dma_wait3A_132 = tpu.memref_squeeze %dma_wait3A_131 : memref<1x128xi32, #tpu.memory_space<vmem>> -> memref<128xi32, #tpu.memory_space<vmem>>
        %dma_wait3A_133 = arith.constant 0 : i32
        %dma_wait3A_134 = arith.constant 0 : i32
        %dma_wait3A_135 = tpu.memref_slice %arg12[%dma_wait3A_133, %dma_wait3A_134] : memref<10240x128xf32, #tpu.memory_space<vmem_shared>> -> memref<10240x128xf32, #tpu.memory_space<vmem_shared>>
        tpu.wait_indirect_dma semaphore(%run_scoped3A : memref<!tpu.dma_semaphore, #tpu.memory_space<semaphore_mem>>) src(%arg9 : memref<128x128xf32, #tpu.memory_space<vmem>>) dst(%dma_wait3A_135 : memref<10240x128xf32, #tpu.memory_space<vmem_shared>>)
        tpu.yield
      }) : () -> ()
    }
    %barrier3A_98 = arith.constant 0 : index
    tpu.barrier barrier_id(%barrier3A_98)
    "tpu.region"() ({
      %run_scoped3A = tpu.sem_alloc : memref<!tpu.dma_semaphore, #tpu.memory_space<semaphore_mem>>
      %dma_start3A_99 = arith.constant 0 : i32
      %dma_start3A_100 = tpu.memref_slice %arg5[%arg0, %mul3A_2, %dma_start3A_99] : memref<2x10240x128xf32, #tpu.memory_space<hbm>> -> memref<1x640x128xf32, #tpu.memory_space<hbm>>
      %dma_start3A_101 = tpu.memref_squeeze %dma_start3A_100 : memref<1x640x128xf32, #tpu.memory_space<hbm>> -> memref<640x128xf32, #tpu.memory_space<hbm>>
      %dma_start3A_102 = arith.constant 0 : i32
      %dma_start3A_103 = tpu.memref_slice %arg12[%mul3A_2, %dma_start3A_102] : memref<10240x128xf32, #tpu.memory_space<vmem_shared>> -> memref<640x128xf32, #tpu.memory_space<vmem_shared>>
      tpu.enqueue_dma source(%dma_start3A_103 : memref<640x128xf32, #tpu.memory_space<vmem_shared>>) target(%dma_start3A_101 : memref<640x128xf32, #tpu.memory_space<hbm>>) target_semaphore(%run_scoped3A : memref<!tpu.dma_semaphore, #tpu.memory_space<semaphore_mem>>)
      %dma_wait3A_104 = arith.constant 0 : i32
      %dma_wait3A_105 = tpu.memref_slice %arg5[%arg0, %mul3A_2, %dma_wait3A_104] : memref<2x10240x128xf32, #tpu.memory_space<hbm>> -> memref<1x640x128xf32, #tpu.memory_space<hbm>>
      %dma_wait3A_106 = tpu.memref_squeeze %dma_wait3A_105 : memref<1x640x128xf32, #tpu.memory_space<hbm>> -> memref<640x128xf32, #tpu.memory_space<hbm>>
      %dma_wait3A_107 = arith.constant 0 : i32
      %dma_wait3A_108 = tpu.memref_slice %arg12[%mul3A_2, %dma_wait3A_107] : memref<10240x128xf32, #tpu.memory_space<vmem_shared>> -> memref<640x128xf32, #tpu.memory_space<vmem_shared>>
      tpu.wait_dma2 semaphore(%run_scoped3A : memref<!tpu.dma_semaphore, #tpu.memory_space<semaphore_mem>>) src(%dma_wait3A_108 : memref<640x128xf32, #tpu.memory_space<vmem_shared>>) dst(%dma_wait3A_106 : memref<640x128xf32, #tpu.memory_space<hbm>>)
      tpu.yield
    }) : () -> ()
    return
  }
}

module attributes {stable_mosaic.version = 14 : i64} {
  func.func @_linear_body(%arg0: i32, %arg1: memref<2048x128xf32, #tpu.memory_space<vmem>>, %arg2: memref<128x128xf32, #tpu.memory_space<vmem>>, %arg3: memref<2048x1xf32, #tpu.memory_space<vmem>>, %arg4: memref<2048x128xf32, #tpu.memory_space<vmem>>) attributes {dimension_semantics = [#tpu.dimension_semantics<arbitrary>], iteration_bounds = array<i64: 5>, scalar_prefetch = 0 : i64, scratch_operands = 0 : i64, tpu.core_type = #tpu.core_type<tc>, window_params = [{transform_indices = @transform_0, window_bounds = array<i64: 2048, 128>}, {pipeline_mode = #tpu.pipeline_mode<synchronous>, transform_indices = @transform_1, window_bounds = array<i64: 128, 128>}, {transform_indices = @transform_2, window_bounds = array<i64: 2048, 1>}, {transform_indices = @transform_3, window_bounds = array<i64: 2048, 128>}]} {
    %get3A = arith.constant 0 : index
    %get3A_0 = arith.constant 0 : index
    %get3A_1 = vector.load %arg1[%get3A, %get3A_0] : memref<2048x128xf32, #tpu.memory_space<vmem>>, vector<2048x128xf32>
    %get3A_2 = arith.constant 0 : index
    %get3A_3 = arith.constant 0 : index
    %get3A_4 = vector.load %arg2[%get3A_2, %get3A_3] : memref<128x128xf32, #tpu.memory_space<vmem>>, vector<128x128xf32>
    %dot_general3A = arith.constant dense<0.000000e+00> : vector<2048x128xf32>
    %dot_general3A_5 = tpu.matmul %get3A_1, %get3A_4, %dot_general3A {dimension_numbers = #tpu.dot_dimension_numbers<[1], [0], [0], [1], [0, 0, 1, 1], [], []>, transpose_lhs_hint = false} : vector<2048x128xf32>, vector<128x128xf32>, vector<2048x128xf32> -> vector<2048x128xf32>
    %get3A_6 = arith.constant 0 : index
    %get3A_7 = arith.constant 0 : index
    %get3A_8 = vector.load %arg3[%get3A_6, %get3A_7] : memref<2048x1xf32, #tpu.memory_space<vmem>>, vector<2048x1xf32>
    %rsqrt3A = math.rsqrt %get3A_8 : vector<2048x1xf32>
    %mul3A = vector.broadcast %rsqrt3A : vector<2048x1xf32> to vector<2048x128xf32>
    %mul3A_9 = arith.mulf %dot_general3A_5, %mul3A : vector<2048x128xf32>
    %swap3A = arith.constant 0 : index
    %swap3A_10 = arith.constant 0 : index
    %swap3A_11 = vector.load %arg4[%swap3A, %swap3A_10] : memref<2048x128xf32, #tpu.memory_space<vmem>>, vector<2048x128xf32>
    tpu.vector_store %arg4[%swap3A, %swap3A_10], %mul3A_9 {strides = array<i32>} : memref<2048x128xf32, #tpu.memory_space<vmem>>, vector<2048x128xf32>,
    return
  }
  func.func @transform_0(%arg0: i32) -> (i32, i32) {
    %c0_i32 = arith.constant 0 : i32
    %c0_i32_0 = arith.constant 0 : i32
    return %arg0, %c0_i32 : i32, i32
  }
  func.func @transform_1(%arg0: i32) -> (i32, i32) {
    %c0_i32 = arith.constant 0 : i32
    %c0_i32_0 = arith.constant 0 : i32
    %c0_i32_1 = arith.constant 0 : i32
    return %c0_i32, %c0_i32_0 : i32, i32
  }
  func.func @transform_2(%arg0: i32) -> (i32, i32) {
    %c0_i32 = arith.constant 0 : i32
    %c0_i32_0 = arith.constant 0 : i32
    return %arg0, %c0_i32 : i32, i32
  }
  func.func @transform_3(%arg0: i32) -> (i32, i32) {
    %c0_i32 = arith.constant 0 : i32
    %c0_i32_0 = arith.constant 0 : i32
    return %arg0, %c0_i32 : i32, i32
  }
}

module attributes {stable_mosaic.version = 14 : i64} {
  func.func @_final_body(%arg0: i32, %arg1: memref<2048x128xf32, #tpu.memory_space<vmem>>, %arg2: memref<2048x128xf32, #tpu.memory_space<vmem>>, %arg3: memref<2048x128xf32, #tpu.memory_space<vmem>>, %arg4: memref<2048x1xf32, #tpu.memory_space<vmem>>, %arg5: memref<1x128xf32, #tpu.memory_space<vmem>>, %arg6: memref<2048x128xf32, #tpu.memory_space<vmem>>) attributes {dimension_semantics = [#tpu.dimension_semantics<arbitrary>], iteration_bounds = array<i64: 5>, scalar_prefetch = 0 : i64, scratch_operands = 0 : i64, tpu.core_type = #tpu.core_type<tc>, window_params = [{transform_indices = @transform_0, window_bounds = array<i64: 2048, 128>}, {transform_indices = @transform_1, window_bounds = array<i64: 2048, 128>}, {transform_indices = @transform_2, window_bounds = array<i64: 2048, 128>}, {transform_indices = @transform_3, window_bounds = array<i64: 2048, 1>}, {pipeline_mode = #tpu.pipeline_mode<synchronous>, transform_indices = @transform_4, window_bounds = array<i64: 1, 128>}, {transform_indices = @transform_5, window_bounds = array<i64: 2048, 128>}]} {
    %get3A = arith.constant 0 : index
    %get3A_0 = arith.constant 0 : index
    %get3A_1 = vector.load %arg1[%get3A, %get3A_0] : memref<2048x128xf32, #tpu.memory_space<vmem>>, vector<2048x128xf32>
    %get3A_2 = arith.constant 0 : index
    %get3A_3 = arith.constant 0 : index
    %get3A_4 = vector.load %arg2[%get3A_2, %get3A_3] : memref<2048x128xf32, #tpu.memory_space<vmem>>, vector<2048x128xf32>
    %add3A = arith.addf %get3A_1, %get3A_4 : vector<2048x128xf32>
    %get3A_5 = arith.constant 0 : index
    %get3A_6 = arith.constant 0 : index
    %get3A_7 = vector.load %arg3[%get3A_5, %get3A_6] : memref<2048x128xf32, #tpu.memory_space<vmem>>, vector<2048x128xf32>
    %add3A_8 = arith.addf %add3A, %get3A_7 : vector<2048x128xf32>
    %get3A_9 = arith.constant 0 : index
    %get3A_10 = arith.constant 0 : index
    %get3A_11 = vector.load %arg4[%get3A_9, %get3A_10] : memref<2048x1xf32, #tpu.memory_space<vmem>>, vector<2048x1xf32>
    %rsqrt3A = math.rsqrt %get3A_11 : vector<2048x1xf32>
    %mul3A = vector.broadcast %rsqrt3A : vector<2048x1xf32> to vector<2048x128xf32>
    %mul3A_12 = arith.mulf %add3A_8, %mul3A : vector<2048x128xf32>
    %get3A_13 = arith.constant 0 : index
    %get3A_14 = arith.constant 0 : index
    %get3A_15 = vector.load %arg5[%get3A_13, %get3A_14] : memref<1x128xf32, #tpu.memory_space<vmem>>, vector<1x128xf32>
    %add3A_16 = vector.broadcast %get3A_15 : vector<1x128xf32> to vector<2048x128xf32>
    %add3A_17 = arith.addf %mul3A_12, %add3A_16 : vector<2048x128xf32>
    %max3A = arith.constant 0.000000e+00 : f32
    %max3A_18 = vector.broadcast %max3A : f32 to vector<2048x128xf32>
    %max3A_19 = arith.maximumf %add3A_17, %max3A_18 : vector<2048x128xf32>
    %swap3A = arith.constant 0 : index
    %swap3A_20 = arith.constant 0 : index
    %swap3A_21 = vector.load %arg6[%swap3A, %swap3A_20] : memref<2048x128xf32, #tpu.memory_space<vmem>>, vector<2048x128xf32>
    tpu.vector_store %arg6[%swap3A, %swap3A_20], %max3A_19 {strides = array<i32>} : memref<2048x128xf32, #tpu.memory_space<vmem>>, vector<2048x128xf32>,
    return
  }
  func.func @transform_0(%arg0: i32) -> (i32, i32) {
    %c0_i32 = arith.constant 0 : i32
    %c0_i32_0 = arith.constant 0 : i32
    return %arg0, %c0_i32 : i32, i32
  }
  func.func @transform_1(%arg0: i32) -> (i32, i32) {
    %c0_i32 = arith.constant 0 : i32
    %c0_i32_0 = arith.constant 0 : i32
    return %arg0, %c0_i32 : i32, i32
  }
  func.func @transform_2(%arg0: i32) -> (i32, i32) {
    %c0_i32 = arith.constant 0 : i32
    %c0_i32_0 = arith.constant 0 : i32
    return %arg0, %c0_i32 : i32, i32
  }
  func.func @transform_3(%arg0: i32) -> (i32, i32) {
    %c0_i32 = arith.constant 0 : i32
    %c0_i32_0 = arith.constant 0 : i32
    return %arg0, %c0_i32 : i32, i32
  }
  func.func @transform_4(%arg0: i32) -> (i32, i32) {
    %c0_i32 = arith.constant 0 : i32
    %c0_i32_0 = arith.constant 0 : i32
    %c0_i32_1 = arith.constant 0 : i32
    return %c0_i32, %c0_i32_0 : i32, i32
  }
  func.func @transform_5(%arg0: i32) -> (i32, i32) {
    %c0_i32 = arith.constant 0 : i32
    %c0_i32_0 = arith.constant 0 : i32
    return %arg0, %c0_i32 : i32, i32
  }
}

</mosaic_0001>

<sc_bundles>
// kernel: kernel.6.cloned.1.call-start
scs
__scs_entry_jumppad:
0x0: {  	(pc) =	sbr.rel $0x88, $3  }
0x1: {  	(tag) =	ssettag $0x0;
	lr =	simm.s32 $0x1  }
0x2: {  	[smem:$0x3F9D] =	sst lr;
	_ =	strace $0xD0000000  }
0x3: {  	_ = 	snop  }
0x4: {  	_ = 	snop  }
0x5: {  	_ = 	snop  }
0x6: {  	_ = 	snop  }
0x7: {  	_ = 	snop  }
__scs_overlays_trampoline_lowered:
0x8: {  	[smem:$0x3FAC] =	sst s0  }
0x9: {  	[smem:$0x3FAD] =	sst s1  }
0xa: {  	[smem:$0x3FAE] =	sst s2  }
0xb: {  	[smem:$0x3FAF] =	sst s3  }
0xc: {  	[smem:$0x3FB0] =	sst s4  }
0xd: {  	[smem:$0x3FB1] =	sst s5  }
0xe: {  	[smem:$0x3FB2] =	sst s6  }
0xf: {  	[smem:$0x3FB3] =	sst s7  }
0x10: {  	[smem:$0x3FB4] =	sst s8  }
0x11: {  	[smem:$0x3FB5] =	sst s9;
	s0 =	simm.s32 @!p0 $0x0  }
0x12: {  	s1 =	sld [smem:$0x3F9B];
	s0 =	simm.s32 @p0 $0x1  }
0x13: {  	[smem:$0x3FB6] =	sst s0;
	s0 =	simm.s32 @!p1 $0x0  }
0x14: {  	s2 =	sld [smem:$0x3F9A];
	s0 =	simm.s32 @p1 $0x1  }
0x15: {  	[smem:$0x3FB7] =	sst s0;
	s0 =	simm.s32 @!p2 $0x0  }
0x16: {  	s3 =	sld [smem:$0x3FDB];
	s0 =	simm.s32 @p2 $0x1  }
0x17: {  	s4 =	simm.s32 $0x1BF5;
	[smem:$0x3FB9] =	sst s0  }
0x18: {  	s0 =	sld [smem:$0x3F9C];
	_ =	swait.ge [sflag:s4], $0x0  }
0x19: {  	s7 =	sld [smem:$0x3F9D]  }
0x1a: {  	s8 =	sadd.s32 $0xFFFFE003, lr  }
0x1b: {  	s9 =	sadd.s32 $0xFFFFFEF7, lr;
	s5 =	simm.s32 $0xFFFFFFFF;
	p2 =	slt.u32 s8, $0xFFFFF086  }
0x1c: {  	p1 =	slt.u32 s9, $0xF7A;
	s5 =	simm.s32 @!p2 $0x0  }
0x1d: {  	s5 =	simm.s32 @p1 $0x1;
	p0 =	seq.s32 s7, s2  }
0x1e: {  	s7 =	smul.u32 @!p0 $0xF7A, s2;
	p2 =	seq.s32 @!p0 s5, $0x0  }
0x1f: {  	s9 =	smul.u32 $0xF7A, s1;
	s8 =	simm.s32 @!p0 $0x1BF5;
	p2 =	por !p2, p0  }
0x20: {  	[sflag:s8] =	ssyncset.s32 @!p0 $0xFFFFF086;
	s6 =	sadd.s32 @!p0 s3, s7;
	s7 =	simm.s32 @!p0 $0x108  }
0x21: {  	s3 =	sadd.s32 s3, s9;
	s6 =	sadd.s32 @!p0 $0x88, s6;
	s7 =	simm.s32 @p2 $0x1082  }
0x22: {  	[simem:s7], [sflag:s8] =	dma.local @!p0 [hbm:s6], $0xF7A  }
0x23: {  	s9 =	sor.u32 $0xD0000000, s2;
	s6 =	simm.s32 $0x108;
	_ =	swait.ge @!p0 [sflag:s8], $0x0  }
0x24: {  	s3 =	sadd.s32 $0x88, s3;
	s6 =	simm.s32 @!p1 $0x1082;
	[sflag:s4] =	ssyncset.s32 $0xFFFFF086  }
0x25: {  	[simem:s6], [sflag:s4] =	dma.local [hbm:s3], $0xF7A  }
0x26: {  	[smem:$0x3F9D] =	sst s1;
	(tag) =	ssettag s2;
	_ =	strace s9  }
0x27: {  	s1 =	sld [smem:$0x3FAD]  }
0x28: {  	s2 =	sld [smem:$0x3FAE]  }
0x29: {  	s4 =	sld [smem:$0x3FB0]  }
0x2a: {  	p0 =	seq.s32 s5, $0x0;
	s5 =	sld [smem:$0x3FB1]  }
0x2b: {  	s6 =	sld [smem:$0x3FB2]  }
0x2c: {  	s7 =	sld [smem:$0x3FB3]  }
0x2d: {  	s3 =	simm.s32 $0x108;
	s8 =	sld [smem:$0x3FB4]  }
0x2e: {  	s3 =	simm.s32 @!p0 $0x1082;
	s9 =	sld [smem:$0x3FB5]  }
0x2f: {  	lr =	sadd.s32 s0, s3;
	s0 =	sld [smem:$0x3FAC]  }
0x30: {  	s3 =	sld [smem:$0x3FAF]  }
0x31: {  	[smem:$0x3FB8] =	sst s10  }
0x32: {  	s10 =	sld [smem:$0x3FB6];
	_ =	sdelay $0x3  }
0x33: {  	p0 =	seq.s32 s10, $0x1;
	s10 =	sld [smem:$0x3FB8];
	_ =	sdelay $0x3  }
0x34: {  	[smem:$0x3FB8] =	sst s10  }
0x35: {  	s10 =	sld [smem:$0x3FB7];
	_ =	sdelay $0x3  }
0x36: {  	p1 =	seq.s32 s10, $0x1;
	s10 =	sld [smem:$0x3FB8];
	_ =	sdelay $0x3  }
0x37: {  	[smem:$0x3FB8] =	sst s10  }
0x38: {  	s10 =	sld [smem:$0x3FB9]  }
0x39: {  	_ = 	snop;
	(pc) =	sbr.ind lr, $3  }
0x3a: {  	_ = 	snop  }
0x3b: {  	_ = 	snop  }
0x3c: {  	p2 =	seq.s32 s10, $0x1;
	s10 =	sld [smem:$0x3FB8]  }
0x3d: {  	_ =	shalt  }
0x3e: {  	_ =	shalt  }
0x3f: {  	_ =	shalt  }
0x40: {  	_ =	shalt  }
0x41: {  	_ =	shalt  }
0x42: {  	_ =	shalt  }
0x43: {  	_ =	shalt  }
0x44: {  	_ =	shalt  }
0x45: {  	_ =	shalt  }
0x46: {  	_ =	shalt  }
0x47: {  	_ =	shalt  }
0x48: {  	_ =	shalt  }
0x49: {  	_ =	shalt  }
0x4a: {  	_ =	shalt  }
0x4b: {  	_ =	shalt  }
0x4c: {  	_ =	shalt  }
0x4d: {  	_ =	shalt  }
0x4e: {  	_ =	shalt  }
0x4f: {  	_ =	shalt  }
0x50: {  	_ =	shalt  }
0x51: {  	_ =	shalt  }
0x52: {  	_ =	shalt  }
0x53: {  	_ =	shalt  }
0x54: {  	_ =	shalt  }
0x55: {  	_ =	shalt  }
0x56: {  	_ =	shalt  }
0x57: {  	_ =	shalt  }
0x58: {  	_ =	shalt  }
0x59: {  	_ =	shalt  }
0x5a: {  	_ =	shalt  }
0x5b: {  	_ =	shalt  }
0x5c: {  	_ =	shalt  }
0x5d: {  	_ =	shalt  }
0x5e: {  	_ =	shalt  }
0x5f: {  	_ =	shalt  }
0x60: {  	_ =	shalt  }
0x61: {  	_ =	shalt  }
0x62: {  	_ =	shalt  }
0x63: {  	_ =	shalt  }
0x64: {  	_ =	shalt  }
0x65: {  	_ =	shalt  }
0x66: {  	_ =	shalt  }
0x67: {  	_ =	shalt  }
0x68: {  	_ =	shalt  }
0x69: {  	_ =	shalt  }
0x6a: {  	_ =	shalt  }
0x6b: {  	_ =	shalt  }
0x6c: {  	_ =	shalt  }
0x6d: {  	_ =	shalt  }
0x6e: {  	_ =	shalt  }
0x6f: {  	_ =	shalt  }
0x70: {  	_ =	shalt  }
0x71: {  	_ =	shalt  }
0x72: {  	_ =	shalt  }
0x73: {  	_ =	shalt  }
0x74: {  	_ =	shalt  }
0x75: {  	_ =	shalt  }
0x76: {  	_ =	shalt  }
0x77: {  	_ =	shalt  }
0x78: {  	_ =	shalt  }
0x79: {  	_ =	shalt  }
0x7a: {  	_ =	shalt  }
0x7b: {  	_ =	shalt  }
0x7c: {  	_ =	shalt  }
0x7d: {  	_ =	shalt  }
0x7e: {  	_ =	shalt  }
0x7f: {  	_ =	shalt  }
0x80: {  	_ =	shalt  }
0x81: {  	_ =	shalt  }
0x82: {  	_ =	shalt  }
0x83: {  	_ =	shalt  }
0x84: {  	_ =	shalt  }
0x85: {  	_ =	shalt  }
0x86: {  	_ =	shalt  }
0x87: {  	_ =	shalt  }
.Lfunc_end0:
.L_simem_size_0:
called_computation_lowered:
.L_overlay_start_0:
0x88: {  	s2 =	sld [smem:$0x3FD9]  }
0x89: {  	s3 =	sld [smem:$0x3FFE];
	_ =	sdelay $0x1  }
0x8a: {  	s1 =	srdreg.scid  }
0x8b: {  	s0 =	sand.u32 $0x1, s1  }
0x8c: {  	s16 =	sshll.u32 s0, $0xA;
	s2 =	sadd.s32 s3, s2  }
0x8d: {  	s2 =	sadd.s32 s2, s16  }
0x8e: {  	[smem:$0x3FC4] =	sst s2  }
0x8f: {  	_ = 	snop  }
0x90: {  	(tm) =	ssettm $0x1  }
0x91: {  	s17 =	sld [smem:$0x3FFB];
	_ =	sdelay $0x3  }
0x92: {  	_ =	strace s17  }
0x93: {  	s2 =	sld [smem:$0x3FFC];
	_ =	sdelay $0x3  }
0x94: {  	_ =	strace s2  }
0x95: {  	s2 =	sld [smem:$0x3FFD];
	_ =	sdelay $0x3  }
0x96: {  	_ =	strace s2  }
0x97: {  	_ =	strace $0x8FFFFFFF  }
0x98: {  	s18 =	sld [smem:$0x3FDB];
	_ =	sdelay $0x1  }
0x99: {  	s19 =	simm.s32 $_scs_section_size  }
0x9a: {  	s4 =	simm.s32 $_size__tile_overlayer_lowered;
	s5 =	simm.s32 $_tile_overlayer_lowered  }
0x9b: {  	s22 =	simm.s32 $0x1BFF;
	s21 =	sshll.u32 s5, $0x1;
	s2 =	sadd.s32 s19, s18  }
0x9c: {  	s6 =	simm.s32 $0x0;
	s20 =	sshll.u32 s4, $0x1;
	s4 =	sadd.s32 s21, s2  }
0x9d: {  	[timem:s6], [sflag:s22] =	dma.local [hbm:s4], s20  }
0x9e: {  	_ =	swait.ge [sflag:s22], s20  }
0x9f: {  	s3 =	ssub.s32 $0x0, s20;
	[sflag:s22] =	ssyncset.done $0x0  }
0xa0: {  	[sflag:s22] =	ssyncadd.s32 s3;
	_ =	sdelay $0x1  }
0xa1: {  	s23 =	simm.s32 $0x1B8B  }
0xa2: {  	_ =	swait.ge [sflag:s23], $0x1  }
0xa3: {  	[sflag:s23] =	ssyncset.done $0x0  }
0xa4: {  	s25 =	simm.s32 $0x1B8E;
	s24 =	sld [smem:$0x3FFE];
	[sflag:s23] =	ssyncadd.s32 $0xFFFFFFFF  }
0xa5: {  	s26 =	simm.s32 $execute0_lowered;
	[smem:$0x3FD2] =	sst s25  }
0xa6: {  	s4 =	sshll.u32 s26, $0x1;
	_ =	strace $0x80000046;
	[dreg:$0x1] =	wrdreg $0xFFFFFFFF  }
0xa7: {  	s28 =	simm.s32 $_size_execute0_lowered;
	s2 =	sadd.s32 s2, s4;
	[dreg:$0x0] =	wrdreg $0x0  }
0xa8: {  	s4 =	sshll.u32 s28, $0x1;
	[dreg:$0x2] =	wrdreg s2  }
0xa9: {  	[dreg:$0x3] =	wrdreg s4  }
0xaa: {  	[dreg:$0x4] =	wrdreg $0xC0  }
0xab: {  	_ =	task [dreg:s6], $0x5FFFF  }
0xac: {  	[dreg:$0x1] =	wrdreg $0xFFFFFFFF  }
0xad: {  	[dreg:$0x0] =	wrdreg $0x60  }
0xae: {  	[dreg:$0x2] =	wrdreg s24  }
0xaf: {  	[dreg:$0x3] =	wrdreg $0x2B000  }
0xb0: {  	[dreg:$0x4] =	wrdreg $0x9  }
0xb1: {  	_ =	task.clear_ibuf [dreg:s6], $0x5FFFF;
	_ =	strace $0x90000046  }
0xb2: {  	s29 =	simm.s32 $0x9;
	_ =	strace $0x80000048  }
0xb3: {  	_ =	swait.ge [sflag:s29], $0x1  }
0xb4: {  	[sflag:s29] =	ssyncadd.s32 $0xFFFFFFFF  }
0xb5: {  	_ =	strace $0x90000048  }
0xb6: {  	_ =	sfence  }
0xb7: {  	s30 =	sld [smem:$0x0];
	_ =	sdelay $0x2  }
0xb8: {  	s31 =	sshll.u32 s1, $0xD;
	s1 =	sshrl.u32 s1, $0x2  }
0xb9: {  	s3 =	sand.u32 $0x4000, s31;
	s1 =	sadd.s32 s1, s30  }
0xba: {  	s0 =	sor.u32 s3, s0;
	s1 =	sshll.u32 s1, $0x11  }
0xbb: {  	s0 =	sor.u32 s1, s0  }
0xbc: {  	s0 =	sadd.s32 $0x8F2B, s0  }
0xbd: {  	[sflag:s0] =	ssyncadd.remote.s32 $0x1  }
0xbe: {  	_ =	sfence.sel $0xFFFF  }
0xbf: {  	[dreg:$0x0] =	wrdreg $0xFFFFFFFF;
	(pc) =	sbr.abs _section_cstart, $3  }
0xc0: {  	[dreg:$0x1] =	wrdreg $0xFFFFFFFF  }
0xc1: {  	_ =	task.clear_ibuf [dreg:s6], $0x2FFFF;
	_ =	strace $0x9FFFFFFF  }
0xc2: {  	(tm) =	ssettm $0x7FFFFFFF  }
0xc3: {  	_ =	shalt  }
tec
execute0_lowered:
.L_overlay_start_1:
0x0: {  	(tag) =	ssettag $0x1  }
0x1: {  	s4 =	rddreg [dreg:$0x0]  }
0x2: {  	s1 =	rddreg [dreg:$0x1]  }
0x3: {  	s2 =	srdreg.scid;
	s0 =	rddreg [dreg:$0x2];
	s3 =	simm.s32 $0x0  }
0x4: {  	s10 =	simm.s32 $0x1;
	s11 =	simm.s32 $0x80;
	s12 =	simm.s32 $0x2800  }
0x5: {  	s15 =	simm.s32 $0x20;
	s16 =	simm.s32 $0x10;
	s17 =	simm.s32 $0x0  }
0x6: {  	s5 =	sand.u32 $0x1, s2;
	s2 =	stileid.u32;
	[smem:$0x7FF] =	sst s3  }
0x7: {  	s6 =	sshll.u32 s5, $0x4;
	s7 =	smul.u32 $0x500, s2;
	_ =	strace $0x80000047  }
0x8: {  	s8 =	sshll.u32 s5, $0x7;
	s5 =	ssub.s32 $0x2, s5;
	s30 =	smul.u32 $0xA00, s2  }
0x9: {  	s13 =	sshll.u32 s2, $0x6;
	s6 =	sor.u32 s2, s6;
	s9 =	sshrl.u32 s5, $0x1  }
0xa: {  	s13 =	sor.u32 $0x1C02, s13;
	s6 =	smul.u32 $0x500, s6;
	s7 =	sor.u32 s8, s7  }
0xb: {  	s9 =	ssub.s32 s5, s9;
	s31 =	sshrl.u32 s30, $0x2;
	s8 =	simm.s32 $0x2880  }
0xc: {  	s7 =	sshrl.u32 s7, $0x3;
	s5 =	sadd.s32 s31, s1;
	s6 =	sadd.s32 s6, s4  }
0xd: {  	s7 =	sadd.s32 s7, s4;
	s14 =	sshrl.u32 s5, $0x3;
	s4 =	sadd.s32 $0x1A00, s6  }
0xe: {  	v0 =	vimm.f32 $0.0e+00;
	v1 =	vimm.f32 $1.000000000e+00;
	s6 =	sadd.s32 $0xBA00, s7;
	s7 =	smax.u32 s9, $0x1;
	s9 =	simm.s32 $0x2  }
.LBB2_1:
0xf: {  	[tilespmem:s3], [sflag:$0x1] =	stream.linear.gather [hbm4b:s4+s3], $0x2800, $0x38;
	[tilespmem:$0x2D80] =	vst v63  }
0x10: {  	[tilespmem:$0x2880] =	vst v0  }
0x11: {  	[tilespmem:$0x2890] =	vst v0  }
0x12: {  	[tilespmem:$0x28A0] =	vst v0  }
0x13: {  	[tilespmem:$0x28B0] =	vst v0  }
0x14: {  	[tilespmem:$0x28C0] =	vst v0  }
0x15: {  	[tilespmem:$0x28D0] =	vst v0  }
0x16: {  	[tilespmem:$0x28E0] =	vst v0  }
0x17: {  	[tilespmem:$0x28F0] =	vst v0  }
0x18: {  	[tilespmem:$0x2900] =	vst v0  }
0x19: {  	[tilespmem:$0x2910] =	vst v0  }
0x1a: {  	[tilespmem:$0x2920] =	vst v0  }
0x1b: {  	[tilespmem:$0x2930] =	vst v0  }
0x1c: {  	[tilespmem:$0x2940] =	vst v0  }
0x1d: {  	[tilespmem:$0x2950] =	vst v0  }
0x1e: {  	[tilespmem:$0x2960] =	vst v0  }
0x1f: {  	[tilespmem:$0x2970] =	vst v0  }
0x20: {  	[tilespmem:$0x2980] =	vst v0  }
0x21: {  	[tilespmem:$0x2990] =	vst v0  }
0x22: {  	[tilespmem:$0x29A0] =	vst v0  }
0x23: {  	[tilespmem:$0x29B0] =	vst v0  }
0x24: {  	[tilespmem:$0x29C0] =	vst v0  }
0x25: {  	[tilespmem:$0x29D0] =	vst v0  }
0x26: {  	[tilespmem:$0x29E0] =	vst v0  }
0x27: {  	[tilespmem:$0x29F0] =	vst v0  }
0x28: {  	[tilespmem:$0x2A00] =	vst v0  }
0x29: {  	[tilespmem:$0x2A10] =	vst v0  }
0x2a: {  	[tilespmem:$0x2A20] =	vst v0  }
0x2b: {  	[tilespmem:$0x2A30] =	vst v0  }
0x2c: {  	[tilespmem:$0x2A40] =	vst v0  }
0x2d: {  	[tilespmem:$0x2A50] =	vst v0  }
0x2e: {  	[tilespmem:$0x2A60] =	vst v0  }
0x2f: {  	[tilespmem:$0x2A70] =	vst v0  }
0x30: {  	[tilespmem:$0x2A80] =	vst v0  }
0x31: {  	[tilespmem:$0x2A90] =	vst v0  }
0x32: {  	[tilespmem:$0x2AA0] =	vst v0  }
0x33: {  	[tilespmem:$0x2AB0] =	vst v0  }
0x34: {  	[tilespmem:$0x2AC0] =	vst v0  }
0x35: {  	[tilespmem:$0x2AD0] =	vst v0  }
0x36: {  	[tilespmem:$0x2AE0] =	vst v0  }
0x37: {  	[tilespmem:$0x2AF0] =	vst v0  }
0x38: {  	[spmem:s5] =	stream.linear.scatter [tilespmem:s8], [sflag:$0x2], $0x280, $0x38;
	[tilespmem:$0x2D80] =	vst v63  }
0x39: {  	_ =	swait.ge [sflag:s9], $0x280  }
0x3a: {  	[sflag:s9] =	ssyncset.done $0x0  }
0x3b: {  	[sflag:s9] =	ssyncadd.s32 $0xFFFFFD80  }
0x3c: {  	[tilespmem:$0x2800] =	vst v1  }
0x3d: {  	[tilespmem:$0x2810] =	vst v1  }
0x3e: {  	[tilespmem:$0x2820] =	vst v1  }
0x3f: {  	[tilespmem:$0x2830] =	vst v1  }
0x40: {  	[tilespmem:$0x2840] =	vst v1  }
0x41: {  	[tilespmem:$0x2850] =	vst v1  }
0x42: {  	[tilespmem:$0x2860] =	vst v1  }
0x43: {  	[tilespmem:$0x2870] =	vst v1  }
0x44: {  	_ =	swait.ge [sflag:s10], $0x2800  }
0x45: {  	[sflag:s10] =	ssyncset.done $0x0  }
0x46: {  	[sflag:s10] =	ssyncadd.s32 $0xFFFFD800  }
0x47: {  	s18 =	simm.s32 $0x0;
	[bflag:$0x0] =	sbarrier.arrive $0xFFFF  }
.LBB2_2:
0x48: {  	p0 =	sne.s32 s18, $0x9E00  }
.Ltmp0:
0x49: {  	_ = 	snop;
	(pc) =	sbr.rel @p0 .LBB2_2-.Ltmp0, $3  }
0x4a: {  	_ =	sdelay $0x1  }
0x4b: {  	s19 =	sshra.s32 s18, $0x2;
	s18 =	sadd.s32 $0x200, s18  }
0x4c: {  	[spmem:s1] =	stream.indirect.scatter.add.f32 [tilespmem:s12], [sflag:$0x1], $0x1, s19, s11, $0xb8;
	[tilespmem:$0x2D80] =	vst v63  }
0x4d: {  	_ =	swait.ge [sflag:s10], $0x80  }
0x4e: {  	s18 =	simm.s32 $0x4F;
	[sflag:s10] =	ssyncset.done $0x0  }
.LBB2_4:
0x4f: {  	p0 =	sne.s32 s18, $0x1;
	s18 =	sadd.s32 $0xFFFFFFFF, s18;
	[sflag:s10] =	ssyncadd.s32 $0xFFFFFF80  }
.Ltmp1:
0x50: {  	(pc) =	sbr.rel @p0 .LBB2_4-.Ltmp1, $3  }
0x51: {  	_ =	sdelay $0x1  }
0x52: {  	_ =	swait.ge [sflag:s10], $0x80  }
0x53: {  	[sflag:s10] =	ssyncset.done $0x0  }
0x54: {  	s17 =	sadd.s32 $0x1, s17  }
0x55: {  	[sflag:s10] =	ssyncadd.s32 $0xFFFFFF80;
	p0 =	sne.s32 s17, s7  }
.Ltmp2:
0x56: {  	[bflag:$0x0] =	sbarrier.arrive $0xFFFF;
	(pc) =	sbr.rel @p0 .LBB2_1-.Ltmp2, $4  }
0x57: {  	[hbm:s6@s15], [sflag:s13] =	dma.strided [spmem:s14@s16], $0x50, s10, $0x10   }
0x58: {  	_ =	swait.ge [sflag:s9], $0x50  }
0x59: {  	[sflag:s9] =	ssyncset.done $0x0  }
0x5a: {  	[sflag:s9] =	ssyncadd.s32 $0xFFFFFFB0  }
0x5b: {  	_ =	sfence.sel $0x180000  }
0x5c: {  	[bflag:$0x0] =	sbarrier.arrive $0xFFFF  }
0x5d: {  	p0 =	sne.s32 s2, $0x0;
	_ =	strace $0x90000047  }
0x5e: {  	s0 =	sadd.s32 @!p0 $0x100000, s0;
	[bflag:$0x2] =	sbarrier.arrive $0xFFFF  }
0x5f: {  	[sflag:s0] =	ssyncadd.tile.s32 @!p0 $0x1;
	_ =	shalt  }
.Lfunc_end2:
_tile_overlayer_lowered:
.L_overlay_start_2:
0x60: {  	(tag) =	ssettag $0x2  }
0x61: {  	s0 =	rddreg [dreg:$0x0];
	s2 =	stileid.u32  }
0x62: {  	s1 =	rddreg [dreg:$0x1];
	p0 =	sne.s32 s2, $0x0  }
0x63: {  	s3 =	rddreg [dreg:$0x2];
	[bflag:$0x3] =	sbarrier.arrive $0xFFFF;
	s2 =	simm.s32 @!p0 $0x1C02  }
0x64: {  	[timem:s3], [sflag:s2] =	dma.local @!p0 [hbm:s0], s1  }
0x65: {  	s0 =	simm.s32 @!p0 $0x2  }
0x66: {  	_ =	swait.ge @!p0 [sflag:s0], s1  }
0x67: {  	s1 =	ssub.s32 @!p0 $0x0, s1;
	[sflag:s0] =	ssyncset.done @!p0 $0x0  }
0x68: {  	[sflag:s0] =	ssyncadd.s32 @!p0 s1  }
0x69: {  	[bflag:$0x3] =	sbarrier.arrive $0xFFFF  }
0x6a: {  	_ =	shalt  }

// kernel: kernel.9.cloned.1.call-start
scs
__scs_entry_jumppad:
0x0: {  	(pc) =	sbr.rel $0x88, $3  }
0x1: {  	(tag) =	ssettag $0x0;
	lr =	simm.s32 $0x1  }
0x2: {  	[smem:$0x3F9D] =	sst lr;
	_ =	strace $0xD0000000  }
0x3: {  	_ = 	snop  }
0x4: {  	_ = 	snop  }
0x5: {  	_ = 	snop  }
0x6: {  	_ = 	snop  }
0x7: {  	_ = 	snop  }
__scs_overlays_trampoline_lowered:
0x8: {  	[smem:$0x3FAC] =	sst s0  }
0x9: {  	[smem:$0x3FAD] =	sst s1  }
0xa: {  	[smem:$0x3FAE] =	sst s2  }
0xb: {  	[smem:$0x3FAF] =	sst s3  }
0xc: {  	[smem:$0x3FB0] =	sst s4  }
0xd: {  	[smem:$0x3FB1] =	sst s5  }
0xe: {  	[smem:$0x3FB2] =	sst s6  }
0xf: {  	[smem:$0x3FB3] =	sst s7  }
0x10: {  	[smem:$0x3FB4] =	sst s8  }
0x11: {  	[smem:$0x3FB5] =	sst s9;
	s0 =	simm.s32 @!p0 $0x0  }
0x12: {  	s1 =	sld [smem:$0x3F9B];
	s0 =	simm.s32 @p0 $0x1  }
0x13: {  	[smem:$0x3FB6] =	sst s0;
	s0 =	simm.s32 @!p1 $0x0  }
0x14: {  	s2 =	sld [smem:$0x3F9A];
	s0 =	simm.s32 @p1 $0x1  }
0x15: {  	[smem:$0x3FB7] =	sst s0;
	s0 =	simm.s32 @!p2 $0x0  }
0x16: {  	s3 =	sld [smem:$0x3FDB];
	s0 =	simm.s32 @p2 $0x1  }
0x17: {  	s4 =	simm.s32 $0x1BF5;
	[smem:$0x3FB9] =	sst s0  }
0x18: {  	s0 =	sld [smem:$0x3F9C];
	_ =	swait.ge [sflag:s4], $0x0  }
0x19: {  	s7 =	sld [smem:$0x3F9D]  }
0x1a: {  	s8 =	sadd.s32 $0xFFFFE003, lr  }
0x1b: {  	s9 =	sadd.s32 $0xFFFFFEF7, lr;
	s5 =	simm.s32 $0xFFFFFFFF;
	p2 =	slt.u32 s8, $0xFFFFF086  }
0x1c: {  	p1 =	slt.u32 s9, $0xF7A;
	s5 =	simm.s32 @!p2 $0x0  }
0x1d: {  	s5 =	simm.s32 @p1 $0x1;
	p0 =	seq.s32 s7, s2  }
0x1e: {  	s7 =	smul.u32 @!p0 $0xF7A, s2;
	p2 =	seq.s32 @!p0 s5, $0x0  }
0x1f: {  	s9 =	smul.u32 $0xF7A, s1;
	s8 =	simm.s32 @!p0 $0x1BF5;
	p2 =	por !p2, p0  }
0x20: {  	[sflag:s8] =	ssyncset.s32 @!p0 $0xFFFFF086;
	s6 =	sadd.s32 @!p0 s3, s7;
	s7 =	simm.s32 @!p0 $0x108  }
0x21: {  	s3 =	sadd.s32 s3, s9;
	s6 =	sadd.s32 @!p0 $0x88, s6;
	s7 =	simm.s32 @p2 $0x1082  }
0x22: {  	[simem:s7], [sflag:s8] =	dma.local @!p0 [hbm:s6], $0xF7A  }
0x23: {  	s9 =	sor.u32 $0xD0000000, s2;
	s6 =	simm.s32 $0x108;
	_ =	swait.ge @!p0 [sflag:s8], $0x0  }
0x24: {  	s3 =	sadd.s32 $0x88, s3;
	s6 =	simm.s32 @!p1 $0x1082;
	[sflag:s4] =	ssyncset.s32 $0xFFFFF086  }
0x25: {  	[simem:s6], [sflag:s4] =	dma.local [hbm:s3], $0xF7A  }
0x26: {  	[smem:$0x3F9D] =	sst s1;
	(tag) =	ssettag s2;
	_ =	strace s9  }
0x27: {  	s1 =	sld [smem:$0x3FAD]  }
0x28: {  	s2 =	sld [smem:$0x3FAE]  }
0x29: {  	s4 =	sld [smem:$0x3FB0]  }
0x2a: {  	p0 =	seq.s32 s5, $0x0;
	s5 =	sld [smem:$0x3FB1]  }
0x2b: {  	s6 =	sld [smem:$0x3FB2]  }
0x2c: {  	s7 =	sld [smem:$0x3FB3]  }
0x2d: {  	s3 =	simm.s32 $0x108;
	s8 =	sld [smem:$0x3FB4]  }
0x2e: {  	s3 =	simm.s32 @!p0 $0x1082;
	s9 =	sld [smem:$0x3FB5]  }
0x2f: {  	lr =	sadd.s32 s0, s3;
	s0 =	sld [smem:$0x3FAC]  }
0x30: {  	s3 =	sld [smem:$0x3FAF]  }
0x31: {  	[smem:$0x3FB8] =	sst s10  }
0x32: {  	s10 =	sld [smem:$0x3FB6];
	_ =	sdelay $0x3  }
0x33: {  	p0 =	seq.s32 s10, $0x1;
	s10 =	sld [smem:$0x3FB8];
	_ =	sdelay $0x3  }
0x34: {  	[smem:$0x3FB8] =	sst s10  }
0x35: {  	s10 =	sld [smem:$0x3FB7];
	_ =	sdelay $0x3  }
0x36: {  	p1 =	seq.s32 s10, $0x1;
	s10 =	sld [smem:$0x3FB8];
	_ =	sdelay $0x3  }
0x37: {  	[smem:$0x3FB8] =	sst s10  }
0x38: {  	s10 =	sld [smem:$0x3FB9]  }
0x39: {  	_ = 	snop;
	(pc) =	sbr.ind lr, $3  }
0x3a: {  	_ = 	snop  }
0x3b: {  	_ = 	snop  }
0x3c: {  	p2 =	seq.s32 s10, $0x1;
	s10 =	sld [smem:$0x3FB8]  }
0x3d: {  	_ =	shalt  }
0x3e: {  	_ =	shalt  }
0x3f: {  	_ =	shalt  }
0x40: {  	_ =	shalt  }
0x41: {  	_ =	shalt  }
0x42: {  	_ =	shalt  }
0x43: {  	_ =	shalt  }
0x44: {  	_ =	shalt  }
0x45: {  	_ =	shalt  }
0x46: {  	_ =	shalt  }
0x47: {  	_ =	shalt  }
0x48: {  	_ =	shalt  }
0x49: {  	_ =	shalt  }
0x4a: {  	_ =	shalt  }
0x4b: {  	_ =	shalt  }
0x4c: {  	_ =	shalt  }
0x4d: {  	_ =	shalt  }
0x4e: {  	_ =	shalt  }
0x4f: {  	_ =	shalt  }
0x50: {  	_ =	shalt  }
0x51: {  	_ =	shalt  }
0x52: {  	_ =	shalt  }
0x53: {  	_ =	shalt  }
0x54: {  	_ =	shalt  }
0x55: {  	_ =	shalt  }
0x56: {  	_ =	shalt  }
0x57: {  	_ =	shalt  }
0x58: {  	_ =	shalt  }
0x59: {  	_ =	shalt  }
0x5a: {  	_ =	shalt  }
0x5b: {  	_ =	shalt  }
0x5c: {  	_ =	shalt  }
0x5d: {  	_ =	shalt  }
0x5e: {  	_ =	shalt  }
0x5f: {  	_ =	shalt  }
0x60: {  	_ =	shalt  }
0x61: {  	_ =	shalt  }
0x62: {  	_ =	shalt  }
0x63: {  	_ =	shalt  }
0x64: {  	_ =	shalt  }
0x65: {  	_ =	shalt  }
0x66: {  	_ =	shalt  }
0x67: {  	_ =	shalt  }
0x68: {  	_ =	shalt  }
0x69: {  	_ =	shalt  }
0x6a: {  	_ =	shalt  }
0x6b: {  	_ =	shalt  }
0x6c: {  	_ =	shalt  }
0x6d: {  	_ =	shalt  }
0x6e: {  	_ =	shalt  }
0x6f: {  	_ =	shalt  }
0x70: {  	_ =	shalt  }
0x71: {  	_ =	shalt  }
0x72: {  	_ =	shalt  }
0x73: {  	_ =	shalt  }
0x74: {  	_ =	shalt  }
0x75: {  	_ =	shalt  }
0x76: {  	_ =	shalt  }
0x77: {  	_ =	shalt  }
0x78: {  	_ =	shalt  }
0x79: {  	_ =	shalt  }
0x7a: {  	_ =	shalt  }
0x7b: {  	_ =	shalt  }
0x7c: {  	_ =	shalt  }
0x7d: {  	_ =	shalt  }
0x7e: {  	_ =	shalt  }
0x7f: {  	_ =	shalt  }
0x80: {  	_ =	shalt  }
0x81: {  	_ =	shalt  }
0x82: {  	_ =	shalt  }
0x83: {  	_ =	shalt  }
0x84: {  	_ =	shalt  }
0x85: {  	_ =	shalt  }
0x86: {  	_ =	shalt  }
0x87: {  	_ =	shalt  }
.Lfunc_end0:
.L_simem_size_0:
called_computation.1_lowered:
.L_overlay_start_0:
0x88: {  	s2 =	sld [smem:$0x3FD9]  }
0x89: {  	s3 =	sld [smem:$0x3FFE];
	_ =	sdelay $0x1  }
0x8a: {  	s1 =	srdreg.scid  }
0x8b: {  	s0 =	sand.u32 $0x1, s1  }
0x8c: {  	s17 =	sshll.u32 s0, $0xA;
	s2 =	sadd.s32 s3, s2  }
0x8d: {  	s2 =	sadd.s32 s2, s17  }
0x8e: {  	[smem:$0x3FC4] =	sst s2  }
0x8f: {  	_ = 	snop  }
0x90: {  	s2 =	sld [smem:$0x3FD0];
	(tm) =	ssettm $0x1  }
0x91: {  	s18 =	sld [smem:$0x3FFB];
	_ =	sdelay $0x3  }
0x92: {  	_ =	strace s18  }
0x93: {  	s3 =	sld [smem:$0x3FFC];
	_ =	sdelay $0x3  }
0x94: {  	_ =	strace s3  }
0x95: {  	s3 =	sld [smem:$0x3FFD];
	_ =	sdelay $0x3  }
0x96: {  	_ =	strace s3  }
0x97: {  	_ =	strace $0x8FFFFFFF  }
0x98: {  	s19 =	sld [smem:$0x3FDB];
	_ =	sdelay $0x1  }
0x99: {  	s4 =	simm.s32 $_scs_section_size  }
0x9a: {  	s5 =	simm.s32 $_size__tile_overlayer_lowered;
	s6 =	simm.s32 $_tile_overlayer_lowered  }
0x9b: {  	s22 =	simm.s32 $0x1BFF;
	s21 =	sshll.u32 s6, $0x1;
	s3 =	sadd.s32 s4, s19  }
0x9c: {  	s7 =	simm.s32 $0x0;
	s20 =	sshll.u32 s5, $0x1;
	s5 =	sadd.s32 s21, s3  }
0x9d: {  	[timem:s7], [sflag:s22] =	dma.local [hbm:s5], s20  }
0x9e: {  	_ =	swait.ge [sflag:s22], s20  }
0x9f: {  	s4 =	ssub.s32 $0x0, s20;
	[sflag:s22] =	ssyncset.done $0x0  }
0xa0: {  	[sflag:s22] =	ssyncadd.s32 s4;
	_ =	sdelay $0x1  }
0xa1: {  	s23 =	simm.s32 $0x1B8B  }
0xa2: {  	_ =	swait.ge [sflag:s23], $0x1  }
0xa3: {  	[sflag:s23] =	ssyncset.done $0x0  }
0xa4: {  	s25 =	simm.s32 $0x1B8E;
	s24 =	sld [smem:$0x3FFE];
	[sflag:s23] =	ssyncadd.s32 $0xFFFFFFFF  }
0xa5: {  	s26 =	simm.s32 $execute0_lowered;
	[smem:$0x3FD2] =	sst s25  }
0xa6: {  	s5 =	sshll.u32 s26, $0x1;
	_ =	strace $0x80000049;
	[dreg:$0x1] =	wrdreg $0xFFFFFFFF  }
0xa7: {  	s28 =	simm.s32 $_size_execute0_lowered;
	s3 =	sadd.s32 s3, s5;
	[dreg:$0x0] =	wrdreg $0x0  }
0xa8: {  	s5 =	sshll.u32 s28, $0x1;
	[dreg:$0x2] =	wrdreg s3  }
0xa9: {  	[dreg:$0x3] =	wrdreg s5  }
0xaa: {  	[dreg:$0x4] =	wrdreg $0xC0  }
0xab: {  	_ =	task [dreg:s7], $0x5FFFF  }
0xac: {  	[dreg:$0x1] =	wrdreg $0xFFFFFFFF  }
0xad: {  	[dreg:$0x0] =	wrdreg $0x60  }
0xae: {  	[dreg:$0x2] =	wrdreg s24  }
0xaf: {  	[dreg:$0x3] =	wrdreg s2  }
0xb0: {  	[dreg:$0x4] =	wrdreg $0xA8000  }
0xb1: {  	[dreg:$0x5] =	wrdreg $0x9  }
0xb2: {  	_ =	task.clear_ibuf [dreg:s7], $0x6FFFF;
	_ =	strace $0x90000049  }
0xb3: {  	s29 =	simm.s32 $0x9;
	_ =	strace $0x8000004B  }
0xb4: {  	_ =	swait.ge [sflag:s29], $0x1  }
0xb5: {  	[sflag:s29] =	ssyncadd.s32 $0xFFFFFFFF  }
0xb6: {  	_ =	strace $0x9000004B  }
0xb7: {  	_ =	sfence  }
0xb8: {  	s30 =	sld [smem:$0x0];
	_ =	sdelay $0x2  }
0xb9: {  	s31 =	sshll.u32 s1, $0xD;
	s1 =	sshrl.u32 s1, $0x2  }
0xba: {  	s3 =	sand.u32 $0x4000, s31;
	s1 =	sadd.s32 s1, s30  }
0xbb: {  	s0 =	sor.u32 s3, s0;
	s1 =	sshll.u32 s1, $0x11  }
0xbc: {  	s0 =	sor.u32 s1, s0  }
0xbd: {  	s0 =	sadd.s32 $0x8F2B, s0  }
0xbe: {  	[sflag:s0] =	ssyncadd.remote.s32 $0x1  }
0xbf: {  	_ =	sfence.sel $0xFFFF  }
0xc0: {  	[dreg:$0x0] =	wrdreg $0xFFFFFFFF;
	(pc) =	sbr.abs _section_cstart, $3  }
0xc1: {  	[dreg:$0x1] =	wrdreg $0xFFFFFFFF  }
0xc2: {  	_ =	task.clear_ibuf [dreg:s7], $0x2FFFF;
	_ =	strace $0x9FFFFFFF  }
0xc3: {  	(tm) =	ssettm $0x7FFFFFFF  }
tec
execute0_lowered:
.L_overlay_start_1:
0x0: {  	(tag) =	ssettag $0x1  }
0x1: {  	s5 =	rddreg [dreg:$0x0]  }
0x2: {  	s8 =	rddreg [dreg:$0x1]  }
0x3: {  	s1 =	rddreg [dreg:$0x2]  }
0x4: {  	s3 =	simm.s32 $0x0;
	s2 =	srdreg.scid;
	s16 =	simm.s32 $0x1400  }
0x5: {  	s17 =	simm.s32 $0x2800;
	s18 =	simm.s32 $0x2;
	s19 =	simm.s32 $0x1  }
0x6: {  	s20 =	simm.s32 $0x80;
	s21 =	simm.s32 $0x6800;
	s22 =	simm.s32 $0x3  }
0x7: {  	s23 =	simm.s32 $0x1380;
	s24 =	simm.s32 $0x2700;
	s25 =	simm.s32 $0x2780  }
0x8: {  	s26 =	simm.s32 $0x0;
	[smem:$0x7FF] =	sst s3;
	s6 =	sand.u32 $0x1, s2  }
0x9: {  	s2 =	stileid.u32;
	s4 =	sadd.s32 $0xBA00, s5;
	s7 =	smul.u32 $0x140000, s6  }
0xa: {  	s11 =	sadd.s32 $0x1A00, s5;
	s9 =	smul.u32 $0x14000, s2;
	s10 =	sshll.u32 s6, $0x4  }
0xb: {  	s6 =	ssub.s32 $0x2, s6;
	s12 =	smul.u32 $0x50000, s2;
	s10 =	sor.u32 s2, s10  }
0xc: {  	s29 =	sshrl.u32 s6, $0x1;
	s7 =	sadd.s32 s9, s7;
	s28 =	smul.u32 $0x2800, s10  }
0xd: {  	_ =	strace $0x8000004A;
	s14 =	ssub.s32 s6, s29;
	s7 =	sshrl.u32 s7, $0x3  }
0xe: {  	s31 =	sshrl.u32 s12, $0x2;
	s13 =	sadd.s32 s7, s5;
	s30 =	sshrl.u32 s28, $0x3  }
0xf: {  	s7 =	sadd.s32 s31, s1;
	s5 =	sadd.s32 s8, s30;
	s9 =	sadd.s32 $0x280, s30  }
0x10: {  	s6 =	sadd.s32 s11, s30;
	s10 =	sadd.s32 $0x33A00, s13;
	s12 =	sadd.s32 $0x4000, s7  }
0x11: {  	s13 =	sadd.s32 $0x8000, s7;
	s15 =	sadd.s32 $0x10000, s7;
	s8 =	sadd.s32 s8, s9  }
0x12: {  	v0 =	vimm.f32 $0.0e+00;
	s9 =	sadd.s32 s11, s9;
	s11 =	smax.u32 s14, $0x1;
	s14 =	sadd.s32 $0xC000, s7  }
.LBB2_1:
0x13: {  	[tilespmem:s3], [sflag:$0x1] =	stream.linear.gather [hbm4b:s5+s3], $0x1400, $0x38;
	[tilespmem:$0x1E800] =	vst v63  }
0x14: {  	s28 =	sand.u32 $0xFE00, s3  }
0x15: {  	s29 =	sand.u32 $0x70, s3;
	s30 =	sshrl.u32 s28, $0x2  }
0x16: {  	[tilespmem:s16], [sflag:$0x1] =	stream.linear.gather [hbm4b:s6+s3], $0x1400, $0x38;
	[tilespmem:$0x1E800] =	vst v63  }
0x17: {  	s28 =	simm.s32 $0x40;
	s30 =	sor.u32 s29, s30;
	s29 =	simm.s32 $0x0  }
.LBB2_2:
0x18: {  	p0 =	sne.s32 s28, $0xFFC0  }
0x19: {  	[tilespmem:s30+$0x2800] =	vst v0;
	s29 =	sadd.s32 $0x10, s29;
	s30 =	smov.u32 s28;
	s28 =	sadd.s32 $0x40, s28  }
.Ltmp0:
0x1a: {  	(pc) =	sbr.rel @p0 .LBB2_2-.Ltmp0, $4  }
0x1b: {  	_ = 	snop  }
0x1c: {  	s30 =	sand.u32 $0xFE00, s30  }
0x1d: {  	s31 =	sand.u32 $0x70, s29;
	s30 =	sshrl.u32 s30, $0x2  }
0x1e: {  	s30 =	sor.u32 s31, s30  }
0x1f: {  	[tilespmem:s30+$0x2800] =	vst v0  }
0x20: {  	[spmem:s7] =	stream.linear.scatter [tilespmem:s17], [sflag:$0x2], $0x4000, $0x38;
	[tilespmem:$0x1E800] =	vst v63  }
0x21: {  	_ = 	snop  }
0x22: {  	[spmem:s12] =	stream.linear.scatter [tilespmem:s17], [sflag:$0x2], $0x4000, $0x38;
	[tilespmem:$0x1E800] =	vst v63  }
0x23: {  	_ = 	snop  }
0x24: {  	[spmem:s13] =	stream.linear.scatter [tilespmem:s17], [sflag:$0x2], $0x4000, $0x38;
	[tilespmem:$0x1E800] =	vst v63  }
0x25: {  	_ = 	snop  }
0x26: {  	[spmem:s14] =	stream.linear.scatter [tilespmem:s17], [sflag:$0x2], $0x4000, $0x38;
	[tilespmem:$0x1E800] =	vst v63  }
0x27: {  	_ = 	snop  }
0x28: {  	[spmem:s15] =	stream.linear.scatter [tilespmem:s17], [sflag:$0x2], $0x4000, $0x38;
	[tilespmem:$0x1E800] =	vst v63  }
0x29: {  	_ =	swait.ge [sflag:s18], $0x4000  }
0x2a: {  	[sflag:s18] =	ssyncset.done $0x0  }
0x2b: {  	[sflag:s18] =	ssyncadd.s32 $0xFFFFC000  }
0x2c: {  	_ =	swait.ge [sflag:s18], $0x4000  }
0x2d: {  	[sflag:s18] =	ssyncset.done $0x0  }
0x2e: {  	[sflag:s18] =	ssyncadd.s32 $0xFFFFC000  }
0x2f: {  	_ =	swait.ge [sflag:s18], $0x4000  }
0x30: {  	[sflag:s18] =	ssyncset.done $0x0  }
0x31: {  	[sflag:s18] =	ssyncadd.s32 $0xFFFFC000  }
0x32: {  	_ =	swait.ge [sflag:s18], $0x4000  }
0x33: {  	[sflag:s18] =	ssyncset.done $0x0  }
0x34: {  	[sflag:s18] =	ssyncadd.s32 $0xFFFFC000  }
0x35: {  	_ =	swait.ge [sflag:s18], $0x4000  }
0x36: {  	[sflag:s18] =	ssyncset.done $0x0  }
0x37: {  	[sflag:s18] =	ssyncadd.s32 $0xFFFFC000  }
0x38: {  	_ =	swait.ge [sflag:s19], $0x1400  }
0x39: {  	[sflag:s19] =	ssyncset.done $0x0  }
0x3a: {  	[sflag:s19] =	ssyncadd.s32 $0xFFFFEC00  }
0x3b: {  	_ =	swait.ge [sflag:s19], $0x1400  }
0x3c: {  	[sflag:s19] =	ssyncset.done $0x0  }
0x3d: {  	[sflag:s19] =	ssyncadd.s32 $0xFFFFEC00  }
0x3e: {  	s28 =	simm.s32 $0x0;
	[bflag:$0x0] =	sbarrier.arrive $0xFFFF  }
0x3f: {  	[tilespmem:s17], [sflag:$0x1] =	stream.indirect.gather [hbm4b:s4+s20], $0x80, s28, s20, $0xb8;
	[tilespmem:$0x1E800] =	vst v63  }
0x40: {  	s28 =	simm.s32 $0x80  }
0x41: {  	[tilespmem:s21], [sflag:$0x2] =	stream.indirect.gather [hbm4b:s4+s20], $0x80, s28, s20, $0xb8;
	[tilespmem:$0x1E800] =	vst v63  }
0x42: {  	_ =	swait.ge [sflag:s19], $0x4000  }
0x43: {  	[sflag:s19] =	ssyncset.done $0x0  }
0x44: {  	s28 =	simm.s32 $0x1400;
	[sflag:s19] =	ssyncadd.s32 $0xFFFFC000  }
0x45: {  	[spmem:s1] =	stream.indirect.scatter.add.f32 [tilespmem:s17], [sflag:$0x3], $0x80, s28, s20, $0xb8;
	[tilespmem:$0x1E800] =	vst v63  }
0x46: {  	_ =	swait.ge [sflag:s22], $0x4000  }
0x47: {  	[sflag:s22] =	ssyncset.done $0x0  }
0x48: {  	s28 =	simm.s32 $0x100;
	[sflag:s22] =	ssyncadd.s32 $0xFFFFC000  }
0x49: {  	[tilespmem:s17], [sflag:$0x1] =	stream.indirect.gather [hbm4b:s4+s20], $0x80, s28, s20, $0xb8;
	[tilespmem:$0x1E800] =	vst v63  }
0x4a: {  	_ =	swait.ge [sflag:s18], $0x4000  }
0x4b: {  	[sflag:s18] =	ssyncset.done $0x0  }
0x4c: {  	s28 =	simm.s32 $0x1480;
	[sflag:s18] =	ssyncadd.s32 $0xFFFFC000  }
0x4d: {  	[spmem:s1] =	stream.indirect.scatter.add.f32 [tilespmem:s21], [sflag:$0x3], $0x80, s28, s20, $0xb8;
	[tilespmem:$0x1E800] =	vst v63  }
0x4e: {  	_ =	swait.ge [sflag:s22], $0x4000  }
0x4f: {  	s29 =	simm.s32 $0x800;
	s28 =	simm.s32 $0x100;
	[sflag:s22] =	ssyncset.done $0x0  }
.LBB2_4:
0x50: {  	s30 =	sadd.s32 $0x80, s28  }
0x51: {  	[sflag:s22] =	ssyncadd.s32 $0xFFFFC000;
	s31 =	smov.u32 s29;
	s0 =	sadd.s32 $0x400, s29  }
0x52: {  	[tilespmem:s21], [sflag:$0x2] =	stream.indirect.gather [hbm4b:s4+s20], $0x80, s30, s20, $0xb8;
	[tilespmem:$0x1E800] =	vst v63  }
0x53: {  	p0 =	sne.s32 s29, $0x4800;
	_ =	swait.ge [sflag:s19], $0x4000  }
0x54: {  	[sflag:s19] =	ssyncset.done $0x0  }
0x55: {  	s29 =	sadd.s32 $0x1400, s28;
	[sflag:s19] =	ssyncadd.s32 $0xFFFFC000  }
0x56: {  	[spmem:s1] =	stream.indirect.scatter.add.f32 [tilespmem:s17], [sflag:$0x3], $0x80, s29, s20, $0xb8;
	[tilespmem:$0x1E800] =	vst v63  }
0x57: {  	_ =	swait.ge [sflag:s22], $0x4000  }
0x58: {  	[sflag:s22] =	ssyncset.done $0x0  }
0x59: {  	s29 =	sadd.s32 $0x100, s28;
	[sflag:s22] =	ssyncadd.s32 $0xFFFFC000  }
0x5a: {  	[tilespmem:s17], [sflag:$0x1] =	stream.indirect.gather [hbm4b:s4+s20], $0x80, s29, s20, $0xb8;
	[tilespmem:$0x1E800] =	vst v63  }
0x5b: {  	_ =	swait.ge [sflag:s18], $0x4000  }
.Ltmp1:
0x5c: {  	[sflag:s18] =	ssyncset.done $0x0;
	(pc) =	sbr.rel @p0 .LBB2_4-.Ltmp1, $4  }
0x5d: {  	s28 =	sadd.s32 $0x1480, s28;
	[sflag:s18] =	ssyncadd.s32 $0xFFFFC000  }
0x5e: {  	[spmem:s1] =	stream.indirect.scatter.add.f32 [tilespmem:s21], [sflag:$0x3], $0x80, s28, s20, $0xb8;
	[tilespmem:$0x1E800] =	vst v63  }
0x5f: {  	_ =	swait.ge [sflag:s22], $0x4000  }
0x60: {  	s29 =	smov.u32 s0;
	s28 =	sshra.s32 s31, $0x2;
	[sflag:s22] =	ssyncset.done $0x0  }
0x61: {  	s0 =	sadd.s32 $0x80, s28;
	[sflag:s22] =	ssyncadd.s32 $0xFFFFC000  }
0x62: {  	[tilespmem:s21], [sflag:$0x2] =	stream.indirect.gather [hbm4b:s4+s20], $0x80, s0, s20, $0xb8;
	[tilespmem:$0x1E800] =	vst v63  }
0x63: {  	_ =	swait.ge [sflag:s19], $0x4000  }
0x64: {  	[sflag:s19] =	ssyncset.done $0x0  }
0x65: {  	s30 =	sadd.s32 $0x1400, s28;
	[sflag:s19] =	ssyncadd.s32 $0xFFFFC000  }
0x66: {  	[spmem:s1] =	stream.indirect.scatter.add.f32 [tilespmem:s17], [sflag:$0x3], $0x80, s30, s20, $0xb8;
	[tilespmem:$0x1E800] =	vst v63  }
0x67: {  	_ =	swait.ge [sflag:s22], $0x4000  }
0x68: {  	[sflag:s22] =	ssyncset.done $0x0  }
0x69: {  	s31 =	sadd.s32 $0x100, s28;
	[sflag:s22] =	ssyncadd.s32 $0xFFFFC000  }
0x6a: {  	[tilespmem:s17], [sflag:$0x1] =	stream.indirect.gather [hbm4b:s4+s20], $0x80, s31, s20, $0xb8;
	[tilespmem:$0x1E800] =	vst v63  }
0x6b: {  	_ =	swait.ge [sflag:s18], $0x4000  }
0x6c: {  	[sflag:s18] =	ssyncset.done $0x0  }
0x6d: {  	s30 =	sadd.s32 $0x1480, s28;
	[sflag:s18] =	ssyncadd.s32 $0xFFFFC000  }
0x6e: {  	[spmem:s1] =	stream.indirect.scatter.add.f32 [tilespmem:s21], [sflag:$0x3], $0x80, s30, s20, $0xb8;
	[tilespmem:$0x1E800] =	vst v63  }
0x6f: {  	_ =	swait.ge [sflag:s22], $0x4000  }
0x70: {  	[sflag:s22] =	ssyncset.done $0x0  }
0x71: {  	[sflag:s22] =	ssyncadd.s32 $0xFFFFC000  }
0x72: {  	[tilespmem:s21], [sflag:$0x2] =	stream.indirect.gather [hbm4b:s4+s20], $0x80, s23, s20, $0xb8;
	[tilespmem:$0x1E800] =	vst v63  }
0x73: {  	_ =	swait.ge [sflag:s19], $0x4000  }
0x74: {  	[sflag:s19] =	ssyncset.done $0x0  }
0x75: {  	[sflag:s19] =	ssyncadd.s32 $0xFFFFC000  }
0x76: {  	[spmem:s1] =	stream.indirect.scatter.add.f32 [tilespmem:s17], [sflag:$0x3], $0x80, s24, s20, $0xb8;
	[tilespmem:$0x1E800] =	vst v63  }
0x77: {  	_ =	swait.ge [sflag:s22], $0x4000  }
0x78: {  	[sflag:s22] =	ssyncset.done $0x0  }
0x79: {  	[sflag:s22] =	ssyncadd.s32 $0xFFFFC000  }
0x7a: {  	_ =	swait.ge [sflag:s18], $0x4000  }
0x7b: {  	[sflag:s18] =	ssyncset.done $0x0  }
0x7c: {  	[sflag:s18] =	ssyncadd.s32 $0xFFFFC000  }
0x7d: {  	[spmem:s1] =	stream.indirect.scatter.add.f32 [tilespmem:s21], [sflag:$0x3], $0x80, s25, s20, $0xb8;
	[tilespmem:$0x1E800] =	vst v63  }
0x7e: {  	_ =	swait.ge [sflag:s22], $0x4000  }
0x7f: {  	[sflag:s22] =	ssyncset.done $0x0  }
0x80: {  	s31 =	simm.s32 $0x0;
	[sflag:s22] =	ssyncadd.s32 $0xFFFFC000  }
0x81: {  	[tilespmem:s31], [sflag:$0x3] =	stream.linear.gather [hbm4b:s8+s31], $0x1400, $0x38;
	[tilespmem:$0x1E800] =	vst v63  }
0x82: {  	_ =	swait.ge [sflag:s22], $0x1400  }
0x83: {  	[sflag:s22] =	ssyncset.done $0x0  }
0x84: {  	[sflag:s22] =	ssyncadd.s32 $0xFFFFEC00  }
0x85: {  	[tilespmem:s16], [sflag:$0x3] =	stream.linear.gather [hbm4b:s9+s31], $0x1400, $0x38;
	[tilespmem:$0x1E800] =	vst v63  }
0x86: {  	_ =	swait.ge [sflag:s22], $0x1400  }
0x87: {  	[sflag:s22] =	ssyncset.done $0x0  }
0x88: {  	[sflag:s22] =	ssyncadd.s32 $0xFFFFEC00  }
0x89: {  	[tilespmem:s17], [sflag:$0x1] =	stream.indirect.gather [hbm4b:s4+s20], $0x80, s31, s20, $0xb8;
	[tilespmem:$0x1E800] =	vst v63  }
0x8a: {  	s30 =	simm.s32 $0x80  }
0x8b: {  	[tilespmem:s21], [sflag:$0x2] =	stream.indirect.gather [hbm4b:s4+s20], $0x80, s30, s20, $0xb8;
	[tilespmem:$0x1E800] =	vst v63  }
0x8c: {  	_ =	swait.ge [sflag:s19], $0x4000  }
0x8d: {  	[sflag:s19] =	ssyncset.done $0x0  }
0x8e: {  	s31 =	simm.s32 $0x1400;
	[sflag:s19] =	ssyncadd.s32 $0xFFFFC000  }
0x8f: {  	[spmem:s1] =	stream.indirect.scatter.add.f32 [tilespmem:s17], [sflag:$0x3], $0x80, s31, s20, $0xb8;
	[tilespmem:$0x1E800] =	vst v63  }
0x90: {  	_ =	swait.ge [sflag:s22], $0x4000  }
0x91: {  	[sflag:s22] =	ssyncset.done $0x0  }
0x92: {  	s30 =	simm.s32 $0x100;
	[sflag:s22] =	ssyncadd.s32 $0xFFFFC000  }
0x93: {  	[tilespmem:s17], [sflag:$0x1] =	stream.indirect.gather [hbm4b:s4+s20], $0x80, s30, s20, $0xb8;
	[tilespmem:$0x1E800] =	vst v63  }
0x94: {  	_ =	swait.ge [sflag:s18], $0x4000  }
0x95: {  	[sflag:s18] =	ssyncset.done $0x0  }
0x96: {  	s31 =	simm.s32 $0x1480;
	[sflag:s18] =	ssyncadd.s32 $0xFFFFC000  }
0x97: {  	[spmem:s1] =	stream.indirect.scatter.add.f32 [tilespmem:s21], [sflag:$0x3], $0x80, s31, s20, $0xb8;
	[tilespmem:$0x1E800] =	vst v63  }
0x98: {  	_ =	swait.ge [sflag:s22], $0x4000  }
0x99: {  	s29 =	simm.s32 $0x800;
	s28 =	simm.s32 $0x100;
	[sflag:s22] =	ssyncset.done $0x0  }
.LBB2_6:
0x9a: {  	s0 =	sadd.s32 $0x80, s28  }
0x9b: {  	[sflag:s22] =	ssyncadd.s32 $0xFFFFC000;
	s30 =	smov.u32 s29;
	s31 =	sadd.s32 $0x400, s29  }
0x9c: {  	[tilespmem:s21], [sflag:$0x2] =	stream.indirect.gather [hbm4b:s4+s20], $0x80, s0, s20, $0xb8;
	[tilespmem:$0x1E800] =	vst v63  }
0x9d: {  	p0 =	sne.s32 s29, $0x4800;
	_ =	swait.ge [sflag:s19], $0x4000  }
0x9e: {  	[sflag:s19] =	ssyncset.done $0x0  }
0x9f: {  	s0 =	sadd.s32 $0x1400, s28;
	[sflag:s19] =	ssyncadd.s32 $0xFFFFC000  }
0xa0: {  	[spmem:s1] =	stream.indirect.scatter.add.f32 [tilespmem:s17], [sflag:$0x3], $0x80, s0, s20, $0xb8;
	[tilespmem:$0x1E800] =	vst v63  }
0xa1: {  	_ =	swait.ge [sflag:s22], $0x4000  }
0xa2: {  	[sflag:s22] =	ssyncset.done $0x0  }
0xa3: {  	s0 =	sadd.s32 $0x100, s28;
	[sflag:s22] =	ssyncadd.s32 $0xFFFFC000  }
0xa4: {  	[tilespmem:s17], [sflag:$0x1] =	stream.indirect.gather [hbm4b:s4+s20], $0x80, s0, s20, $0xb8;
	[tilespmem:$0x1E800] =	vst v63  }
0xa5: {  	_ =	swait.ge [sflag:s18], $0x4000  }
.Ltmp2:
0xa6: {  	[sflag:s18] =	ssyncset.done $0x0;
	(pc) =	sbr.rel @p0 .LBB2_6-.Ltmp2, $4  }
0xa7: {  	s0 =	sadd.s32 $0x1480, s28;
	[sflag:s18] =	ssyncadd.s32 $0xFFFFC000  }
0xa8: {  	[spmem:s1] =	stream.indirect.scatter.add.f32 [tilespmem:s21], [sflag:$0x3], $0x80, s0, s20, $0xb8;
	[tilespmem:$0x1E800] =	vst v63  }
0xa9: {  	_ =	swait.ge [sflag:s22], $0x4000  }
0xaa: {  	s29 =	smov.u32 s31;
	s28 =	sshra.s32 s30, $0x2;
	[sflag:s22] =	ssyncset.done $0x0  }
0xab: {  	s0 =	sadd.s32 $0x80, s28;
	[sflag:s22] =	ssyncadd.s32 $0xFFFFC000  }
0xac: {  	[tilespmem:s21], [sflag:$0x2] =	stream.indirect.gather [hbm4b:s4+s20], $0x80, s0, s20, $0xb8;
	[tilespmem:$0x1E800] =	vst v63  }
0xad: {  	_ =	swait.ge [sflag:s19], $0x4000  }
0xae: {  	[sflag:s19] =	ssyncset.done $0x0  }
0xaf: {  	s30 =	sadd.s32 $0x1400, s28;
	[sflag:s19] =	ssyncadd.s32 $0xFFFFC000  }
0xb0: {  	[spmem:s1] =	stream.indirect.scatter.add.f32 [tilespmem:s17], [sflag:$0x3], $0x80, s30, s20, $0xb8;
	[tilespmem:$0x1E800] =	vst v63  }
0xb1: {  	_ =	swait.ge [sflag:s22], $0x4000  }
0xb2: {  	[sflag:s22] =	ssyncset.done $0x0  }
0xb3: {  	s31 =	sadd.s32 $0x100, s28;
	[sflag:s22] =	ssyncadd.s32 $0xFFFFC000  }
0xb4: {  	[tilespmem:s17], [sflag:$0x1] =	stream.indirect.gather [hbm4b:s4+s20], $0x80, s31, s20, $0xb8;
	[tilespmem:$0x1E800] =	vst v63  }
0xb5: {  	_ =	swait.ge [sflag:s18], $0x4000  }
0xb6: {  	[sflag:s18] =	ssyncset.done $0x0  }
0xb7: {  	s29 =	sadd.s32 $0x1480, s28;
	[sflag:s18] =	ssyncadd.s32 $0xFFFFC000  }
0xb8: {  	[spmem:s1] =	stream.indirect.scatter.add.f32 [tilespmem:s21], [sflag:$0x3], $0x80, s29, s20, $0xb8;
	[tilespmem:$0x1E800] =	vst v63  }
0xb9: {  	_ =	swait.ge [sflag:s22], $0x4000  }
0xba: {  	[sflag:s22] =	ssyncset.done $0x0  }
0xbb: {  	[sflag:s22] =	ssyncadd.s32 $0xFFFFC000  }
0xbc: {  	[tilespmem:s21], [sflag:$0x2] =	stream.indirect.gather [hbm4b:s4+s20], $0x80, s23, s20, $0xb8;
	[tilespmem:$0x1E800] =	vst v63  }
0xbd: {  	_ =	swait.ge [sflag:s19], $0x4000  }
0xbe: {  	[sflag:s19] =	ssyncset.done $0x0  }
0xbf: {  	[sflag:s19] =	ssyncadd.s32 $0xFFFFC000  }
0xc0: {  	[spmem:s1] =	stream.indirect.scatter.add.f32 [tilespmem:s17], [sflag:$0x3], $0x80, s24, s20, $0xb8;
	[tilespmem:$0x1E800] =	vst v63  }
0xc1: {  	_ =	swait.ge [sflag:s22], $0x4000  }
0xc2: {  	[sflag:s22] =	ssyncset.done $0x0  }
0xc3: {  	[sflag:s22] =	ssyncadd.s32 $0xFFFFC000  }
0xc4: {  	_ =	swait.ge [sflag:s18], $0x4000  }
0xc5: {  	[sflag:s18] =	ssyncset.done $0x0  }
0xc6: {  	[sflag:s18] =	ssyncadd.s32 $0xFFFFC000  }
0xc7: {  	[spmem:s1] =	stream.indirect.scatter.add.f32 [tilespmem:s21], [sflag:$0x3], $0x80, s25, s20, $0xb8;
	[tilespmem:$0x1E800] =	vst v63  }
0xc8: {  	_ =	swait.ge [sflag:s22], $0x4000  }
0xc9: {  	s26 =	sadd.s32 $0x1, s26;
	s30 =	sshll.u32 s2, $0x6;
	[sflag:s22] =	ssyncset.done $0x0  }
0xca: {  	p0 =	sne.s32 s26, s11;
	s0 =	sor.u32 $0x1C03, s30;
	[sflag:s22] =	ssyncadd.s32 $0xFFFFC000  }
.Ltmp3:
0xcb: {  	s31 =	sshrl.u32 s7, $0x3;
	[bflag:$0x0] =	sbarrier.arrive $0xFFFF;
	(pc) =	sbr.rel @p0 .LBB2_1-.Ltmp3, $4  }
0xcc: {  	[hbm:s10], [sflag:s0] =	dma.local [spmem:s31], $0x2800  }
0xcd: {  	_ =	swait.ge [sflag:s22], $0x2800  }
0xce: {  	[sflag:s22] =	ssyncset.done $0x0  }
0xcf: {  	[sflag:s22] =	ssyncadd.s32 $0xFFFFD800  }
0xd0: {  	_ =	sfence.sel $0x180000  }
0xd1: {  	[bflag:$0x0] =	sbarrier.arrive $0xFFFF  }
0xd2: {  	_ =	strace $0x9000004A  }
0xd3: {  	[bflag:$0x2] =	sbarrier.arrive $0xFFFF  }
0xd4: {  	p0 =	sne.s32 s2, $0x0;
	s0 =	rddreg [dreg:$0x3]  }
0xd5: {  	s0 =	sadd.s32 @!p0 $0x100000, s0  }
0xd6: {  	[sflag:s0] =	ssyncadd.tile.s32 @!p0 $0x1;
	_ =	shalt  }
.Lfunc_end2:
_tile_overlayer_lowered:
.L_overlay_start_2:
0xd7: {  	(tag) =	ssettag $0x2  }
0xd8: {  	s0 =	rddreg [dreg:$0x0];
	s2 =	stileid.u32  }
0xd9: {  	s1 =	rddreg [dreg:$0x1];
	p0 =	sne.s32 s2, $0x0  }
0xda: {  	s3 =	rddreg [dreg:$0x2];
	[bflag:$0x3] =	sbarrier.arrive $0xFFFF;
	s2 =	simm.s32 @!p0 $0x1C03  }
0xdb: {  	[timem:s3], [sflag:s2] =	dma.local @!p0 [hbm:s0], s1  }
0xdc: {  	s0 =	simm.s32 @!p0 $0x3  }
0xdd: {  	_ =	swait.ge @!p0 [sflag:s0], s1  }
0xde: {  	s1 =	ssub.s32 @!p0 $0x0, s1;
	[sflag:s0] =	ssyncset.done @!p0 $0x0  }
0xdf: {  	[sflag:s0] =	ssyncadd.s32 @!p0 s1  }
0xe0: {  	[bflag:$0x3] =	sbarrier.arrive $0xFFFF  }
0xe1: {  	_ =	shalt  }

</sc_bundles>
